<compile_context>
chip_gen: v7x
topology: tpu7x:2x2x1
jax: 0.10.2.dev20260603
libtpu: 0.0.44.dev20260713+nightly
codegen_flags: <defaults>
</compile_context>

<pallas_src>
import jax
import jax.numpy as jnp
from jax import lax
from jax.experimental import pallas as pl
from jax.experimental.pallas import tpu as pltpu
from jax.experimental.pallas import tpu_sc as plsc

NUM_LABELS = 100000
HIDDEN = 768
BATCH = 4096
SHORTLIST = 100

TOT = BATCH * SHORTLIST
NC, NS = 2, 16
NW = NC * NS
PER_W = TOT // NW
CHUNK = 32
NCHUNK = PER_W // CHUNK
NBUF = 4
NROWS = NUM_LABELS + 1
LANES = 16


def _body(w_hbm, idx_hbm, b_hbm, outw_hbm, outb_hbm, idx_v,
          sg0, sg1, sg2, sg3, so0, so1, so2, so3):
  sg = (sg0, sg1, sg2, sg3)
  so = (so0, so1, so2, so3)
  wid = lax.axis_index("s") * NC + lax.axis_index("c")
  base = wid * PER_W

  pltpu.sync_copy(idx_hbm.at[pl.ds(base, PER_W)], idx_v)

  def idx_slice(cid):
    return idx_v.at[pl.ds(cid * CHUNK, CHUNK)]

  def out_slice(cid):
    return outw_hbm.at[pl.ds(base + cid * CHUNK, CHUNK)]

  def w_phase(rows_v):
    @pl.loop(0, NCHUNK, step=NBUF)
    def _(j):
      for t in range(NBUF):
        cid = j + t

        @pl.when(cid >= NBUF)
        def _():
          pltpu.make_async_copy(
              rows_v.at[t], out_slice(cid - NBUF), so[t]).wait()

        pltpu.async_copy(w_hbm.at[idx_slice(cid)], rows_v.at[t], sg[t])
      for t in range(NBUF):
        cid = j + t
        pltpu.make_async_copy(
            w_hbm.at[idx_slice(cid)], rows_v.at[t], sg[t]).wait()
        pltpu.async_copy(rows_v.at[t], out_slice(cid), so[t])

    for t in range(NBUF):
      pltpu.make_async_copy(
          rows_v.at[t], out_slice(NCHUNK - NBUF + t), so[t]).wait()

  pl.run_scoped(w_phase, pltpu.VMEM((NBUF, CHUNK, HIDDEN), jnp.float32))

  def b_phase(tab_v, out_v):
    pltpu.sync_copy(b_hbm, tab_v)

    @pl.loop(0, PER_W // LANES)
    def _(i):
      iv = idx_v[pl.ds(i * LANES, LANES)]
      out_v[pl.ds(i * LANES, LANES)] = plsc.load_gather(tab_v, [iv])

    pltpu.sync_copy(out_v, outb_hbm.at[pl.ds(base, PER_W)])

  pl.run_scoped(
      b_phase,
      pltpu.VMEM((NROWS,), jnp.float32),
      pltpu.VMEM((PER_W,), jnp.float32),
  )


@jax.jit
def _gather(w, idx_flat, b_flat):
  mesh = plsc.VectorSubcoreMesh(core_axis_name="c", subcore_axis_name="s")
  return pl.kernel(
      _body,
      out_type=(
          jax.ShapeDtypeStruct((TOT, HIDDEN), jnp.float32),
          jax.ShapeDtypeStruct((TOT,), jnp.float32),
      ),
      mesh=mesh,
      scratch_types=(
          pltpu.VMEM((PER_W,), jnp.int32),
          pltpu.SemaphoreType.DMA,
          pltpu.SemaphoreType.DMA,
          pltpu.SemaphoreType.DMA,
          pltpu.SemaphoreType.DMA,
          pltpu.SemaphoreType.DMA,
          pltpu.SemaphoreType.DMA,
          pltpu.SemaphoreType.DMA,
          pltpu.SemaphoreType.DMA,
      ),
      compiler_params=pltpu.CompilerParams(needs_layout_passes=False),
  )(w, idx_flat, b_flat)


def kernel(pooled_output, output_indices, W, b):
  del pooled_output
  idx_flat = output_indices.T.reshape(TOT)
  outw, outb = _gather(W, idx_flat, b.reshape(NROWS))
  w_act = outw.reshape(SHORTLIST, BATCH, HIDDEN).transpose(1, 0, 2)
  b_act = outb.reshape(SHORTLIST, BATCH, 1).transpose(1, 0, 2)
  return (w_act, b_act)

# --- scband reference (transcript-rebuilt; emitter-appended) ---
"""Pipeline reference for scband-transformer-linear-xmchead-73375221285239 (READ-ONLY COPY).

The authoritative reference and input builder live on the scoring server;
editing this copy changes nothing except your own understanding.
"""

import jax, jax.numpy as jnp
import numpy as np

NUM_LABELS = 100000
HIDDEN = 768
BATCH = 4096
SHORTLIST = 100


def setup_inputs(seed: int = 0) -> dict:
    key = jax.random.key(seed)
    k1, k2, k3 = jax.random.split(key, 3)
    # label weight embedding table, N(0, 0.02), padding row (last) is zero
    W = 0.02 * jax.random.normal(k1, (NUM_LABELS + 1, HIDDEN), dtype=jnp.float32)
    W = W.at[NUM_LABELS].set(0.0)
    # label bias embedding table, initialized to zero (as in random_init)
    b = jnp.zeros((NUM_LABELS + 1, 1), dtype=jnp.float32)
    pooled_output = jax.random.normal(k2, (BATCH, HIDDEN), dtype=jnp.float32)
    output_indices = jax.random.randint(k3, (BATCH, SHORTLIST), 0, NUM_LABELS, dtype=jnp.int32)
    return {"pooled_output": pooled_output, "output_indices": output_indices, "W": W, "b": b}


def reference(pooled_output, output_indices, W, b):
    # forward path with output_indices provided: embedding lookup on both tables
    W_act = jnp.take(W, output_indices, axis=0)  # (B, S, HIDDEN)
    b_act = jnp.take(b, output_indices, axis=0)  # (B, S, 1)
    return (W_act, b_act)

if __name__ == "__main__":
    import jax
    _d = setup_inputs()
    print(jax.jit(kernel)(*tuple(_d.values())))

</pallas_src>

<mosaic_0001>
#map = affine_map<(d0, d1) -> (0, 0)>
#map1 = affine_map<(d0, d1) -> (0)>
module attributes {stable_mosaic.version = 14 : i64} {
  func.func @_body(%arg0: i32, %arg1: i32, %arg2: memref<100001x768xf32, #tpu.memory_space<hbm>>, %arg3: memref<409600xi32, #tpu.memory_space<hbm>>, %arg4: memref<100001xf32, #tpu.memory_space<hbm>>, %arg5: memref<409600x768xf32, #tpu.memory_space<hbm>>, %arg6: memref<409600xf32, #tpu.memory_space<hbm>>, %arg7: memref<12800xi32, #tpu.memory_space<vmem>>, %arg8: memref<!tpu.dma_semaphore, #tpu.memory_space<semaphore_mem>>, %arg9: memref<!tpu.dma_semaphore, #tpu.memory_space<semaphore_mem>>, %arg10: memref<!tpu.dma_semaphore, #tpu.memory_space<semaphore_mem>>, %arg11: memref<!tpu.dma_semaphore, #tpu.memory_space<semaphore_mem>>, %arg12: memref<!tpu.dma_semaphore, #tpu.memory_space<semaphore_mem>>, %arg13: memref<!tpu.dma_semaphore, #tpu.memory_space<semaphore_mem>>, %arg14: memref<!tpu.dma_semaphore, #tpu.memory_space<semaphore_mem>>, %arg15: memref<!tpu.dma_semaphore, #tpu.memory_space<semaphore_mem>>) attributes {dimension_semantics = [#tpu.dimension_semantics<core_parallel>, #tpu.dimension_semantics<subcore_parallel>], iteration_bounds = array<i64: 2, 16>, scalar_prefetch = 0 : i64, scratch_operands = 9 : i64, tpu.core_type = #tpu.core_type<sc_vector_subcore>, window_params = [{transform_indices = #map}, {transform_indices = #map1}, {transform_indices = #map1}, {transform_indices = #map}, {transform_indices = #map1}]} {
    %mul3A = arith.constant 2 : i32
    %mul3A_0 = arith.muli %arg1, %mul3A : i32
    %add3A = arith.addi %mul3A_0, %arg0 : i32
    %mul3A_1 = arith.constant 12800 : i32
    %mul3A_2 = arith.muli %add3A, %mul3A_1 : i32
    "tpu.region"() ({
      %run_scoped3A = tpu.sem_alloc : memref<!tpu.dma_semaphore, #tpu.memory_space<semaphore_mem>>
      %dma_start3A = tpu.memref_slice %arg3[%mul3A_2] : memref<409600xi32, #tpu.memory_space<hbm>> -> memref<12800xi32, #tpu.memory_space<hbm>>
      %dma_start3A_3 = tpu.memref_slice %arg3[%mul3A_2] : memref<409600xi32, #tpu.memory_space<hbm>> -> memref<12800xi32, #tpu.memory_space<hbm>>
      tpu.enqueue_dma source(%dma_start3A_3 : memref<12800xi32, #tpu.memory_space<hbm>>) target(%arg7 : memref<12800xi32, #tpu.memory_space<vmem>>) target_semaphore(%run_scoped3A : memref<!tpu.dma_semaphore, #tpu.memory_space<semaphore_mem>>)
      %dma_wait3A = tpu.memref_slice %arg3[%mul3A_2] : memref<409600xi32, #tpu.memory_space<hbm>> -> memref<12800xi32, #tpu.memory_space<hbm>>
      %dma_wait3A_4 = tpu.memref_slice %arg3[%mul3A_2] : memref<409600xi32, #tpu.memory_space<hbm>> -> memref<12800xi32, #tpu.memory_space<hbm>>
      tpu.wait_dma2 semaphore(%run_scoped3A : memref<!tpu.dma_semaphore, #tpu.memory_space<semaphore_mem>>) src(%dma_wait3A_4 : memref<12800xi32, #tpu.memory_space<hbm>>) dst(%arg7 : memref<12800xi32, #tpu.memory_space<vmem>>)
      tpu.yield
    }) : () -> ()
    "tpu.region"() ({
      %run_scoped3A = memref.alloca() : memref<4x32x768xf32, #tpu.memory_space<vmem>>
      %scan3A = arith.constant 0 : i32
      %scan3A_3 = arith.constant 100 : i32
      %scan3A_4 = arith.addi %scan3A, %scan3A_3 : i32
      %scan3A_5 = arith.constant 1 : i32
      scf.for %scan3A_66 = %scan3A to %scan3A_4 step %scan3A_5  : i32 {
        %mul3A_67 = arith.constant 4 : i32
        %mul3A_68 = arith.muli %scan3A_66, %mul3A_67 : i32
        %add3A_69 = arith.constant 0 : i32
        %add3A_70 = arith.addi %add3A_69, %mul3A_68 : i32
        %add3A_71 = arith.constant 0 : i32
        %add3A_72 = arith.addi %add3A_70, %add3A_71 : i32
        %ge3A = arith.constant 4 : i32
        %ge3A_73 = arith.cmpi sge, %add3A_72, %ge3A : i32
        %convert_element_type3A = arith.extui %ge3A_73 : i1 to i32
        %cond3A = arith.constant 0 : i32
        %cond3A_74 = arith.cmpi ne, %convert_element_type3A, %cond3A : i32
        scf.if %cond3A_74 {
          %sub3A = arith.constant 4 : i32
          %sub3A_255 = arith.subi %add3A_72, %sub3A : i32
          %mul3A_256 = arith.constant 32 : i32
          %mul3A_257 = arith.muli %sub3A_255, %mul3A_256 : i32
          %add3A_258 = arith.addi %mul3A_2, %mul3A_257 : i32
          %dma_wait3A_259 = arith.constant 0 : i32
          %dma_wait3A_260 = arith.constant 0 : i32
          %dma_wait3A_261 = arith.constant 0 : i32
          %dma_wait3A_262 = tpu.memref_slice %run_scoped3A[%dma_wait3A_259, %dma_wait3A_260, %dma_wait3A_261] : memref<4x32x768xf32, #tpu.memory_space<vmem>> -> memref<1x32x768xf32, #tpu.memory_space<vmem>>
          %dma_wait3A_263 = tpu.memref_squeeze %dma_wait3A_262 : memref<1x32x768xf32, #tpu.memory_space<vmem>> -> memref<32x768xf32, #tpu.memory_space<vmem>>
          %dma_wait3A_264 = arith.constant 0 : i32
          %dma_wait3A_265 = tpu.memref_slice %arg5[%add3A_258, %dma_wait3A_264] : memref<409600x768xf32, #tpu.memory_space<hbm>> -> memref<32x768xf32, #tpu.memory_space<hbm>>
          %dma_wait3A_266 = arith.constant 0 : i32
          %dma_wait3A_267 = tpu.memref_slice %arg5[%add3A_258, %dma_wait3A_266] : memref<409600x768xf32, #tpu.memory_space<hbm>> -> memref<32x768xf32, #tpu.memory_space<hbm>>
          %dma_wait3A_268 = arith.constant 0 : i32
          %dma_wait3A_269 = arith.constant 0 : i32
          %dma_wait3A_270 = tpu.memref_slice %run_scoped3A[%dma_wait3A_259, %dma_wait3A_268, %dma_wait3A_269] : memref<4x32x768xf32, #tpu.memory_space<vmem>> -> memref<1x32x768xf32, #tpu.memory_space<vmem>>
          %dma_wait3A_271 = tpu.memref_squeeze %dma_wait3A_270 : memref<1x32x768xf32, #tpu.memory_space<vmem>> -> memref<32x768xf32, #tpu.memory_space<vmem>>
          tpu.wait_dma2 semaphore(%arg12 : memref<!tpu.dma_semaphore, #tpu.memory_space<semaphore_mem>>) src(%dma_wait3A_271 : memref<32x768xf32, #tpu.memory_space<vmem>>) dst(%dma_wait3A_267 : memref<32x768xf32, #tpu.memory_space<hbm>>)
        } else {
        }
        %mul3A_75 = arith.constant 32 : i32
        %mul3A_76 = arith.muli %add3A_72, %mul3A_75 : i32
        %dma_start3A = arith.constant 0 : i32
        %dma_start3A_77 = arith.constant 0 : i32
        %dma_start3A_78 = arith.constant 0 : i32
        %dma_start3A_79 = tpu.memref_slice %run_scoped3A[%dma_start3A, %dma_start3A_77, %dma_start3A_78] : memref<4x32x768xf32, #tpu.memory_space<vmem>> -> memref<1x32x768xf32, #tpu.memory_space<vmem>>
        %dma_start3A_80 = tpu.memref_squeeze %dma_start3A_79 : memref<1x32x768xf32, #tpu.memory_space<vmem>> -> memref<32x768xf32, #tpu.memory_space<vmem>>
        %dma_start3A_81 = tpu.memref_slice %arg7[%mul3A_76] : memref<12800xi32, #tpu.memory_space<vmem>> -> memref<32xi32, #tpu.memory_space<vmem>>
        %dma_start3A_82 = arith.constant 0 : i32
        %dma_start3A_83 = arith.constant 0 : i32
        %dma_start3A_84 = tpu.memref_slice %arg2[%dma_start3A_82, %dma_start3A_83] : memref<100001x768xf32, #tpu.memory_space<hbm>> -> memref<100001x768xf32, #tpu.memory_space<hbm>>
        tpu.enqueue_indirect_dma source(%dma_start3A_84 : memref<100001x768xf32, #tpu.memory_space<hbm>>) target(%dma_start3A_80 : memref<32x768xf32, #tpu.memory_space<vmem>>) offsets(%dma_start3A_81 : memref<32xi32, #tpu.memory_space<vmem>>) semaphore(%arg8 : memref<!tpu.dma_semaphore, #tpu.memory_space<semaphore_mem>>)
        %add3A_85 = arith.constant 1 : i32
        %add3A_86 = arith.addi %add3A_70, %add3A_85 : i32
        %ge3A_87 = arith.constant 4 : i32
        %ge3A_88 = arith.cmpi sge, %add3A_86, %ge3A_87 : i32
        %convert_element_type3A_89 = arith.extui %ge3A_88 : i1 to i32
        %cond3A_90 = arith.constant 0 : i32
        %cond3A_91 = arith.cmpi ne, %convert_element_type3A_89, %cond3A_90 : i32
        scf.if %cond3A_91 {
          %sub3A = arith.constant 4 : i32
          %sub3A_255 = arith.subi %add3A_86, %sub3A : i32
          %mul3A_256 = arith.constant 32 : i32
          %mul3A_257 = arith.muli %sub3A_255, %mul3A_256 : i32
          %add3A_258 = arith.addi %mul3A_2, %mul3A_257 : i32
          %dma_wait3A_259 = arith.constant 1 : i32
          %dma_wait3A_260 = arith.constant 0 : i32
          %dma_wait3A_261 = arith.constant 0 : i32
          %dma_wait3A_262 = tpu.memref_slice %run_scoped3A[%dma_wait3A_259, %dma_wait3A_260, %dma_wait3A_261] : memref<4x32x768xf32, #tpu.memory_space<vmem>> -> memref<1x32x768xf32, #tpu.memory_space<vmem>>
          %dma_wait3A_263 = tpu.memref_squeeze %dma_wait3A_262 : memref<1x32x768xf32, #tpu.memory_space<vmem>> -> memref<32x768xf32, #tpu.memory_space<vmem>>
          %dma_wait3A_264 = arith.constant 0 : i32
          %dma_wait3A_265 = tpu.memref_slice %arg5[%add3A_258, %dma_wait3A_264] : memref<409600x768xf32, #tpu.memory_space<hbm>> -> memref<32x768xf32, #tpu.memory_space<hbm>>
          %dma_wait3A_266 = arith.constant 0 : i32
          %dma_wait3A_267 = tpu.memref_slice %arg5[%add3A_258, %dma_wait3A_266] : memref<409600x768xf32, #tpu.memory_space<hbm>> -> memref<32x768xf32, #tpu.memory_space<hbm>>
          %dma_wait3A_268 = arith.constant 0 : i32
          %dma_wait3A_269 = arith.constant 0 : i32
          %dma_wait3A_270 = tpu.memref_slice %run_scoped3A[%dma_wait3A_259, %dma_wait3A_268, %dma_wait3A_269] : memref<4x32x768xf32, #tpu.memory_space<vmem>> -> memref<1x32x768xf32, #tpu.memory_space<vmem>>
          %dma_wait3A_271 = tpu.memref_squeeze %dma_wait3A_270 : memref<1x32x768xf32, #tpu.memory_space<vmem>> -> memref<32x768xf32, #tpu.memory_space<vmem>>
          tpu.wait_dma2 semaphore(%arg13 : memref<!tpu.dma_semaphore, #tpu.memory_space<semaphore_mem>>) src(%dma_wait3A_271 : memref<32x768xf32, #tpu.memory_space<vmem>>) dst(%dma_wait3A_267 : memref<32x768xf32, #tpu.memory_space<hbm>>)
        } else {
        }
        %mul3A_92 = arith.constant 32 : i32
        %mul3A_93 = arith.muli %add3A_86, %mul3A_92 : i32
        %dma_start3A_94 = arith.constant 1 : i32
        %dma_start3A_95 = arith.constant 0 : i32
        %dma_start3A_96 = arith.constant 0 : i32
        %dma_start3A_97 = tpu.memref_slice %run_scoped3A[%dma_start3A_94, %dma_start3A_95, %dma_start3A_96] : memref<4x32x768xf32, #tpu.memory_space<vmem>> -> memref<1x32x768xf32, #tpu.memory_space<vmem>>
        %dma_start3A_98 = tpu.memref_squeeze %dma_start3A_97 : memref<1x32x768xf32, #tpu.memory_space<vmem>> -> memref<32x768xf32, #tpu.memory_space<vmem>>
        %dma_start3A_99 = tpu.memref_slice %arg7[%mul3A_93] : memref<12800xi32, #tpu.memory_space<vmem>> -> memref<32xi32, #tpu.memory_space<vmem>>
        %dma_start3A_100 = arith.constant 0 : i32
        %dma_start3A_101 = arith.constant 0 : i32
        %dma_start3A_102 = tpu.memref_slice %arg2[%dma_start3A_100, %dma_start3A_101] : memref<100001x768xf32, #tpu.memory_space<hbm>> -> memref<100001x768xf32, #tpu.memory_space<hbm>>
        tpu.enqueue_indirect_dma source(%dma_start3A_102 : memref<100001x768xf32, #tpu.memory_space<hbm>>) target(%dma_start3A_98 : memref<32x768xf32, #tpu.memory_space<vmem>>) offsets(%dma_start3A_99 : memref<32xi32, #tpu.memory_space<vmem>>) semaphore(%arg9 : memref<!tpu.dma_semaphore, #tpu.memory_space<semaphore_mem>>)
        %add3A_103 = arith.constant 2 : i32
        %add3A_104 = arith.addi %add3A_70, %add3A_103 : i32
        %ge3A_105 = arith.constant 4 : i32
        %ge3A_106 = arith.cmpi sge, %add3A_104, %ge3A_105 : i32
        %convert_element_type3A_107 = arith.extui %ge3A_106 : i1 to i32
        %cond3A_108 = arith.constant 0 : i32
        %cond3A_109 = arith.cmpi ne, %convert_element_type3A_107, %cond3A_108 : i32
        scf.if %cond3A_109 {
          %sub3A = arith.constant 4 : i32
          %sub3A_255 = arith.subi %add3A_104, %sub3A : i32
          %mul3A_256 = arith.constant 32 : i32
          %mul3A_257 = arith.muli %sub3A_255, %mul3A_256 : i32
          %add3A_258 = arith.addi %mul3A_2, %mul3A_257 : i32
          %dma_wait3A_259 = arith.constant 2 : i32
          %dma_wait3A_260 = arith.constant 0 : i32
          %dma_wait3A_261 = arith.constant 0 : i32
          %dma_wait3A_262 = tpu.memref_slice %run_scoped3A[%dma_wait3A_259, %dma_wait3A_260, %dma_wait3A_261] : memref<4x32x768xf32, #tpu.memory_space<vmem>> -> memref<1x32x768xf32, #tpu.memory_space<vmem>>
          %dma_wait3A_263 = tpu.memref_squeeze %dma_wait3A_262 : memref<1x32x768xf32, #tpu.memory_space<vmem>> -> memref<32x768xf32, #tpu.memory_space<vmem>>
          %dma_wait3A_264 = arith.constant 0 : i32
          %dma_wait3A_265 = tpu.memref_slice %arg5[%add3A_258, %dma_wait3A_264] : memref<409600x768xf32, #tpu.memory_space<hbm>> -> memref<32x768xf32, #tpu.memory_space<hbm>>
          %dma_wait3A_266 = arith.constant 0 : i32
          %dma_wait3A_267 = tpu.memref_slice %arg5[%add3A_258, %dma_wait3A_266] : memref<409600x768xf32, #tpu.memory_space<hbm>> -> memref<32x768xf32, #tpu.memory_space<hbm>>
          %dma_wait3A_268 = arith.constant 0 : i32
          %dma_wait3A_269 = arith.constant 0 : i32
          %dma_wait3A_270 = tpu.memref_slice %run_scoped3A[%dma_wait3A_259, %dma_wait3A_268, %dma_wait3A_269] : memref<4x32x768xf32, #tpu.memory_space<vmem>> -> memref<1x32x768xf32, #tpu.memory_space<vmem>>
          %dma_wait3A_271 = tpu.memref_squeeze %dma_wait3A_270 : memref<1x32x768xf32, #tpu.memory_space<vmem>> -> memref<32x768xf32, #tpu.memory_space<vmem>>
          tpu.wait_dma2 semaphore(%arg14 : memref<!tpu.dma_semaphore, #tpu.memory_space<semaphore_mem>>) src(%dma_wait3A_271 : memref<32x768xf32, #tpu.memory_space<vmem>>) dst(%dma_wait3A_267 : memref<32x768xf32, #tpu.memory_space<hbm>>)
        } else {
        }
        %mul3A_110 = arith.constant 32 : i32
        %mul3A_111 = arith.muli %add3A_104, %mul3A_110 : i32
        %dma_start3A_112 = arith.constant 2 : i32
        %dma_start3A_113 = arith.constant 0 : i32
        %dma_start3A_114 = arith.constant 0 : i32
        %dma_start3A_115 = tpu.memref_slice %run_scoped3A[%dma_start3A_112, %dma_start3A_113, %dma_start3A_114] : memref<4x32x768xf32, #tpu.memory_space<vmem>> -> memref<1x32x768xf32, #tpu.memory_space<vmem>>
        %dma_start3A_116 = tpu.memref_squeeze %dma_start3A_115 : memref<1x32x768xf32, #tpu.memory_space<vmem>> -> memref<32x768xf32, #tpu.memory_space<vmem>>
        %dma_start3A_117 = tpu.memref_slice %arg7[%mul3A_111] : memref<12800xi32, #tpu.memory_space<vmem>> -> memref<32xi32, #tpu.memory_space<vmem>>
        %dma_start3A_118 = arith.constant 0 : i32
        %dma_start3A_119 = arith.constant 0 : i32
        %dma_start3A_120 = tpu.memref_slice %arg2[%dma_start3A_118, %dma_start3A_119] : memref<100001x768xf32, #tpu.memory_space<hbm>> -> memref<100001x768xf32, #tpu.memory_space<hbm>>
        tpu.enqueue_indirect_dma source(%dma_start3A_120 : memref<100001x768xf32, #tpu.memory_space<hbm>>) target(%dma_start3A_116 : memref<32x768xf32, #tpu.memory_space<vmem>>) offsets(%dma_start3A_117 : memref<32xi32, #tpu.memory_space<vmem>>) semaphore(%arg10 : memref<!tpu.dma_semaphore, #tpu.memory_space<semaphore_mem>>)
        %add3A_121 = arith.constant 3 : i32
        %add3A_122 = arith.addi %add3A_70, %add3A_121 : i32
        %ge3A_123 = arith.constant 4 : i32
        %ge3A_124 = arith.cmpi sge, %add3A_122, %ge3A_123 : i32
        %convert_element_type3A_125 = arith.extui %ge3A_124 : i1 to i32
        %cond3A_126 = arith.constant 0 : i32
        %cond3A_127 = arith.cmpi ne, %convert_element_type3A_125, %cond3A_126 : i32
        scf.if %cond3A_127 {
          %sub3A = arith.constant 4 : i32
          %sub3A_255 = arith.subi %add3A_122, %sub3A : i32
          %mul3A_256 = arith.constant 32 : i32
          %mul3A_257 = arith.muli %sub3A_255, %mul3A_256 : i32
          %add3A_258 = arith.addi %mul3A_2, %mul3A_257 : i32
          %dma_wait3A_259 = arith.constant 3 : i32
          %dma_wait3A_260 = arith.constant 0 : i32
          %dma_wait3A_261 = arith.constant 0 : i32
          %dma_wait3A_262 = tpu.memref_slice %run_scoped3A[%dma_wait3A_259, %dma_wait3A_260, %dma_wait3A_261] : memref<4x32x768xf32, #tpu.memory_space<vmem>> -> memref<1x32x768xf32, #tpu.memory_space<vmem>>
          %dma_wait3A_263 = tpu.memref_squeeze %dma_wait3A_262 : memref<1x32x768xf32, #tpu.memory_space<vmem>> -> memref<32x768xf32, #tpu.memory_space<vmem>>
          %dma_wait3A_264 = arith.constant 0 : i32
          %dma_wait3A_265 = tpu.memref_slice %arg5[%add3A_258, %dma_wait3A_264] : memref<409600x768xf32, #tpu.memory_space<hbm>> -> memref<32x768xf32, #tpu.memory_space<hbm>>
          %dma_wait3A_266 = arith.constant 0 : i32
          %dma_wait3A_267 = tpu.memref_slice %arg5[%add3A_258, %dma_wait3A_266] : memref<409600x768xf32, #tpu.memory_space<hbm>> -> memref<32x768xf32, #tpu.memory_space<hbm>>
          %dma_wait3A_268 = arith.constant 0 : i32
          %dma_wait3A_269 = arith.constant 0 : i32
          %dma_wait3A_270 = tpu.memref_slice %run_scoped3A[%dma_wait3A_259, %dma_wait3A_268, %dma_wait3A_269] : memref<4x32x768xf32, #tpu.memory_space<vmem>> -> memref<1x32x768xf32, #tpu.memory_space<vmem>>
          %dma_wait3A_271 = tpu.memref_squeeze %dma_wait3A_270 : memref<1x32x768xf32, #tpu.memory_space<vmem>> -> memref<32x768xf32, #tpu.memory_space<vmem>>
          tpu.wait_dma2 semaphore(%arg15 : memref<!tpu.dma_semaphore, #tpu.memory_space<semaphore_mem>>) src(%dma_wait3A_271 : memref<32x768xf32, #tpu.memory_space<vmem>>) dst(%dma_wait3A_267 : memref<32x768xf32, #tpu.memory_space<hbm>>)
        } else {
        }
        %mul3A_128 = arith.constant 32 : i32
        %mul3A_129 = arith.muli %add3A_122, %mul3A_128 : i32
        %dma_start3A_130 = arith.constant 3 : i32
        %dma_start3A_131 = arith.constant 0 : i32
        %dma_start3A_132 = arith.constant 0 : i32
        %dma_start3A_133 = tpu.memref_slice %run_scoped3A[%dma_start3A_130, %dma_start3A_131, %dma_start3A_132] : memref<4x32x768xf32, #tpu.memory_space<vmem>> -> memref<1x32x768xf32, #tpu.memory_space<vmem>>
        %dma_start3A_134 = tpu.memref_squeeze %dma_start3A_133 : memref<1x32x768xf32, #tpu.memory_space<vmem>> -> memref<32x768xf32, #tpu.memory_space<vmem>>
        %dma_start3A_135 = tpu.memref_slice %arg7[%mul3A_129] : memref<12800xi32, #tpu.memory_space<vmem>> -> memref<32xi32, #tpu.memory_space<vmem>>
        %dma_start3A_136 = arith.constant 0 : i32
        %dma_start3A_137 = arith.constant 0 : i32
        %dma_start3A_138 = tpu.memref_slice %arg2[%dma_start3A_136, %dma_start3A_137] : memref<100001x768xf32, #tpu.memory_space<hbm>> -> memref<100001x768xf32, #tpu.memory_space<hbm>>
        tpu.enqueue_indirect_dma source(%dma_start3A_138 : memref<100001x768xf32, #tpu.memory_space<hbm>>) target(%dma_start3A_134 : memref<32x768xf32, #tpu.memory_space<vmem>>) offsets(%dma_start3A_135 : memref<32xi32, #tpu.memory_space<vmem>>) semaphore(%arg11 : memref<!tpu.dma_semaphore, #tpu.memory_space<semaphore_mem>>)
        %add3A_139 = arith.constant 0 : i32
        %add3A_140 = arith.addi %add3A_70, %add3A_139 : i32
        %mul3A_141 = arith.constant 32 : i32
        %mul3A_142 = arith.muli %add3A_140, %mul3A_141 : i32
        %dma_wait3A_143 = arith.constant 0 : i32
        %dma_wait3A_144 = arith.constant 0 : i32
        %dma_wait3A_145 = arith.constant 0 : i32
        %dma_wait3A_146 = tpu.memref_slice %run_scoped3A[%dma_wait3A_143, %dma_wait3A_144, %dma_wait3A_145] : memref<4x32x768xf32, #tpu.memory_space<vmem>> -> memref<1x32x768xf32, #tpu.memory_space<vmem>>
        %dma_wait3A_147 = tpu.memref_squeeze %dma_wait3A_146 : memref<1x32x768xf32, #tpu.memory_space<vmem>> -> memref<32x768xf32, #tpu.memory_space<vmem>>
        %dma_wait3A_148 = tpu.memref_slice %arg7[%mul3A_142] : memref<12800xi32, #tpu.memory_space<vmem>> -> memref<32xi32, #tpu.memory_space<vmem>>
        %dma_wait3A_149 = arith.constant 0 : i32
        %dma_wait3A_150 = arith.constant 0 : i32
        %dma_wait3A_151 = tpu.memref_slice %arg2[%dma_wait3A_149, %dma_wait3A_150] : memref<100001x768xf32, #tpu.memory_space<hbm>> -> memref<100001x768xf32, #tpu.memory_space<hbm>>
        tpu.wait_indirect_dma semaphore(%arg8 : memref<!tpu.dma_semaphore, #tpu.memory_space<semaphore_mem>>) src(%dma_wait3A_151 : memref<100001x768xf32, #tpu.memory_space<hbm>>) dst(%dma_wait3A_147 : memref<32x768xf32, #tpu.memory_space<vmem>>)
        %mul3A_152 = arith.constant 32 : i32
        %mul3A_153 = arith.muli %add3A_140, %mul3A_152 : i32
        %add3A_154 = arith.addi %mul3A_2, %mul3A_153 : i32
        %dma_start3A_155 = arith.constant 0 : i32
        %dma_start3A_156 = arith.constant 0 : i32
        %dma_start3A_157 = arith.constant 0 : i32
        %dma_start3A_158 = tpu.memref_slice %run_scoped3A[%dma_start3A_155, %dma_start3A_156, %dma_start3A_157] : memref<4x32x768xf32, #tpu.memory_space<vmem>> -> memref<1x32x768xf32, #tpu.memory_space<vmem>>
        %dma_start3A_159 = tpu.memref_squeeze %dma_start3A_158 : memref<1x32x768xf32, #tpu.memory_space<vmem>> -> memref<32x768xf32, #tpu.memory_space<vmem>>
        %dma_start3A_160 = arith.constant 0 : i32
        %dma_start3A_161 = tpu.memref_slice %arg5[%add3A_154, %dma_start3A_160] : memref<409600x768xf32, #tpu.memory_space<hbm>> -> memref<32x768xf32, #tpu.memory_space<hbm>>
        %dma_start3A_162 = arith.constant 0 : i32
        %dma_start3A_163 = tpu.memref_slice %arg5[%add3A_154, %dma_start3A_162] : memref<409600x768xf32, #tpu.memory_space<hbm>> -> memref<32x768xf32, #tpu.memory_space<hbm>>
        %dma_start3A_164 = arith.constant 0 : i32
        %dma_start3A_165 = arith.constant 0 : i32
        %dma_start3A_166 = tpu.memref_slice %run_scoped3A[%dma_start3A_155, %dma_start3A_164, %dma_start3A_165] : memref<4x32x768xf32, #tpu.memory_space<vmem>> -> memref<1x32x768xf32, #tpu.memory_space<vmem>>
        %dma_start3A_167 = tpu.memref_squeeze %dma_start3A_166 : memref<1x32x768xf32, #tpu.memory_space<vmem>> -> memref<32x768xf32, #tpu.memory_space<vmem>>
        tpu.enqueue_dma source(%dma_start3A_167 : memref<32x768xf32, #tpu.memory_space<vmem>>) target(%dma_start3A_163 : memref<32x768xf32, #tpu.memory_space<hbm>>) target_semaphore(%arg12 : memref<!tpu.dma_semaphore, #tpu.memory_space<semaphore_mem>>)
        %add3A_168 = arith.constant 1 : i32
        %add3A_169 = arith.addi %add3A_70, %add3A_168 : i32
        %mul3A_170 = arith.constant 32 : i32
        %mul3A_171 = arith.muli %add3A_169, %mul3A_170 : i32
        %dma_wait3A_172 = arith.constant 1 : i32
        %dma_wait3A_173 = arith.constant 0 : i32
        %dma_wait3A_174 = arith.constant 0 : i32
        %dma_wait3A_175 = tpu.memref_slice %run_scoped3A[%dma_wait3A_172, %dma_wait3A_173, %dma_wait3A_174] : memref<4x32x768xf32, #tpu.memory_space<vmem>> -> memref<1x32x768xf32, #tpu.memory_space<vmem>>
        %dma_wait3A_176 = tpu.memref_squeeze %dma_wait3A_175 : memref<1x32x768xf32, #tpu.memory_space<vmem>> -> memref<32x768xf32, #tpu.memory_space<vmem>>
        %dma_wait3A_177 = tpu.memref_slice %arg7[%mul3A_171] : memref<12800xi32, #tpu.memory_space<vmem>> -> memref<32xi32, #tpu.memory_space<vmem>>
        %dma_wait3A_178 = arith.constant 0 : i32
        %dma_wait3A_179 = arith.constant 0 : i32
        %dma_wait3A_180 = tpu.memref_slice %arg2[%dma_wait3A_178, %dma_wait3A_179] : memref<100001x768xf32, #tpu.memory_space<hbm>> -> memref<100001x768xf32, #tpu.memory_space<hbm>>
        tpu.wait_indirect_dma semaphore(%arg9 : memref<!tpu.dma_semaphore, #tpu.memory_space<semaphore_mem>>) src(%dma_wait3A_180 : memref<100001x768xf32, #tpu.memory_space<hbm>>) dst(%dma_wait3A_176 : memref<32x768xf32, #tpu.memory_space<vmem>>)
        %mul3A_181 = arith.constant 32 : i32
        %mul3A_182 = arith.muli %add3A_169, %mul3A_181 : i32
        %add3A_183 = arith.addi %mul3A_2, %mul3A_182 : i32
        %dma_start3A_184 = arith.constant 1 : i32
        %dma_start3A_185 = arith.constant 0 : i32
        %dma_start3A_186 = arith.constant 0 : i32
        %dma_start3A_187 = tpu.memref_slice %run_scoped3A[%dma_start3A_184, %dma_start3A_185, %dma_start3A_186] : memref<4x32x768xf32, #tpu.memory_space<vmem>> -> memref<1x32x768xf32, #tpu.memory_space<vmem>>
        %dma_start3A_188 = tpu.memref_squeeze %dma_start3A_187 : memref<1x32x768xf32, #tpu.memory_space<vmem>> -> memref<32x768xf32, #tpu.memory_space<vmem>>
        %dma_start3A_189 = arith.constant 0 : i32
        %dma_start3A_190 = tpu.memref_slice %arg5[%add3A_183, %dma_start3A_189] : memref<409600x768xf32, #tpu.memory_space<hbm>> -> memref<32x768xf32, #tpu.memory_space<hbm>>
        %dma_start3A_191 = arith.constant 0 : i32
        %dma_start3A_192 = tpu.memref_slice %arg5[%add3A_183, %dma_start3A_191] : memref<409600x768xf32, #tpu.memory_space<hbm>> -> memref<32x768xf32, #tpu.memory_space<hbm>>
        %dma_start3A_193 = arith.constant 0 : i32
        %dma_start3A_194 = arith.constant 0 : i32
        %dma_start3A_195 = tpu.memref_slice %run_scoped3A[%dma_start3A_184, %dma_start3A_193, %dma_start3A_194] : memref<4x32x768xf32, #tpu.memory_space<vmem>> -> memref<1x32x768xf32, #tpu.memory_space<vmem>>
        %dma_start3A_196 = tpu.memref_squeeze %dma_start3A_195 : memref<1x32x768xf32, #tpu.memory_space<vmem>> -> memref<32x768xf32, #tpu.memory_space<vmem>>
        tpu.enqueue_dma source(%dma_start3A_196 : memref<32x768xf32, #tpu.memory_space<vmem>>) target(%dma_start3A_192 : memref<32x768xf32, #tpu.memory_space<hbm>>) target_semaphore(%arg13 : memref<!tpu.dma_semaphore, #tpu.memory_space<semaphore_mem>>)
        %add3A_197 = arith.constant 2 : i32
        %add3A_198 = arith.addi %add3A_70, %add3A_197 : i32
        %mul3A_199 = arith.constant 32 : i32
        %mul3A_200 = arith.muli %add3A_198, %mul3A_199 : i32
        %dma_wait3A_201 = arith.constant 2 : i32
        %dma_wait3A_202 = arith.constant 0 : i32
        %dma_wait3A_203 = arith.constant 0 : i32
        %dma_wait3A_204 = tpu.memref_slice %run_scoped3A[%dma_wait3A_201, %dma_wait3A_202, %dma_wait3A_203] : memref<4x32x768xf32, #tpu.memory_space<vmem>> -> memref<1x32x768xf32, #tpu.memory_space<vmem>>
        %dma_wait3A_205 = tpu.memref_squeeze %dma_wait3A_204 : memref<1x32x768xf32, #tpu.memory_space<vmem>> -> memref<32x768xf32, #tpu.memory_space<vmem>>
        %dma_wait3A_206 = tpu.memref_slice %arg7[%mul3A_200] : memref<12800xi32, #tpu.memory_space<vmem>> -> memref<32xi32, #tpu.memory_space<vmem>>
        %dma_wait3A_207 = arith.constant 0 : i32
        %dma_wait3A_208 = arith.constant 0 : i32
        %dma_wait3A_209 = tpu.memref_slice %arg2[%dma_wait3A_207, %dma_wait3A_208] : memref<100001x768xf32, #tpu.memory_space<hbm>> -> memref<100001x768xf32, #tpu.memory_space<hbm>>
        tpu.wait_indirect_dma semaphore(%arg10 : memref<!tpu.dma_semaphore, #tpu.memory_space<semaphore_mem>>) src(%dma_wait3A_209 : memref<100001x768xf32, #tpu.memory_space<hbm>>) dst(%dma_wait3A_205 : memref<32x768xf32, #tpu.memory_space<vmem>>)
        %mul3A_210 = arith.constant 32 : i32
        %mul3A_211 = arith.muli %add3A_198, %mul3A_210 : i32
        %add3A_212 = arith.addi %mul3A_2, %mul3A_211 : i32
        %dma_start3A_213 = arith.constant 2 : i32
        %dma_start3A_214 = arith.constant 0 : i32
        %dma_start3A_215 = arith.constant 0 : i32
        %dma_start3A_216 = tpu.memref_slice %run_scoped3A[%dma_start3A_213, %dma_start3A_214, %dma_start3A_215] : memref<4x32x768xf32, #tpu.memory_space<vmem>> -> memref<1x32x768xf32, #tpu.memory_space<vmem>>
        %dma_start3A_217 = tpu.memref_squeeze %dma_start3A_216 : memref<1x32x768xf32, #tpu.memory_space<vmem>> -> memref<32x768xf32, #tpu.memory_space<vmem>>
        %dma_start3A_218 = arith.constant 0 : i32
        %dma_start3A_219 = tpu.memref_slice %arg5[%add3A_212, %dma_start3A_218] : memref<409600x768xf32, #tpu.memory_space<hbm>> -> memref<32x768xf32, #tpu.memory_space<hbm>>
        %dma_start3A_220 = arith.constant 0 : i32
        %dma_start3A_221 = tpu.memref_slice %arg5[%add3A_212, %dma_start3A_220] : memref<409600x768xf32, #tpu.memory_space<hbm>> -> memref<32x768xf32, #tpu.memory_space<hbm>>
        %dma_start3A_222 = arith.constant 0 : i32
        %dma_start3A_223 = arith.constant 0 : i32
        %dma_start3A_224 = tpu.memref_slice %run_scoped3A[%dma_start3A_213, %dma_start3A_222, %dma_start3A_223] : memref<4x32x768xf32, #tpu.memory_space<vmem>> -> memref<1x32x768xf32, #tpu.memory_space<vmem>>
        %dma_start3A_225 = tpu.memref_squeeze %dma_start3A_224 : memref<1x32x768xf32, #tpu.memory_space<vmem>> -> memref<32x768xf32, #tpu.memory_space<vmem>>
        tpu.enqueue_dma source(%dma_start3A_225 : memref<32x768xf32, #tpu.memory_space<vmem>>) target(%dma_start3A_221 : memref<32x768xf32, #tpu.memory_space<hbm>>) target_semaphore(%arg14 : memref<!tpu.dma_semaphore, #tpu.memory_space<semaphore_mem>>)
        %add3A_226 = arith.constant 3 : i32
        %add3A_227 = arith.addi %add3A_70, %add3A_226 : i32
        %mul3A_228 = arith.constant 32 : i32
        %mul3A_229 = arith.muli %add3A_227, %mul3A_228 : i32
        %dma_wait3A_230 = arith.constant 3 : i32
        %dma_wait3A_231 = arith.constant 0 : i32
        %dma_wait3A_232 = arith.constant 0 : i32
        %dma_wait3A_233 = tpu.memref_slice %run_scoped3A[%dma_wait3A_230, %dma_wait3A_231, %dma_wait3A_232] : memref<4x32x768xf32, #tpu.memory_space<vmem>> -> memref<1x32x768xf32, #tpu.memory_space<vmem>>
        %dma_wait3A_234 = tpu.memref_squeeze %dma_wait3A_233 : memref<1x32x768xf32, #tpu.memory_space<vmem>> -> memref<32x768xf32, #tpu.memory_space<vmem>>
        %dma_wait3A_235 = tpu.memref_slice %arg7[%mul3A_229] : memref<12800xi32, #tpu.memory_space<vmem>> -> memref<32xi32, #tpu.memory_space<vmem>>
        %dma_wait3A_236 = arith.constant 0 : i32
        %dma_wait3A_237 = arith.constant 0 : i32
        %dma_wait3A_238 = tpu.memref_slice %arg2[%dma_wait3A_236, %dma_wait3A_237] : memref<100001x768xf32, #tpu.memory_space<hbm>> -> memref<100001x768xf32, #tpu.memory_space<hbm>>
        tpu.wait_indirect_dma semaphore(%arg11 : memref<!tpu.dma_semaphore, #tpu.memory_space<semaphore_mem>>) src(%dma_wait3A_238 : memref<100001x768xf32, #tpu.memory_space<hbm>>) dst(%dma_wait3A_234 : memref<32x768xf32, #tpu.memory_space<vmem>>)
        %mul3A_239 = arith.constant 32 : i32
        %mul3A_240 = arith.muli %add3A_227, %mul3A_239 : i32
        %add3A_241 = arith.addi %mul3A_2, %mul3A_240 : i32
        %dma_start3A_242 = arith.constant 3 : i32
        %dma_start3A_243 = arith.constant 0 : i32
        %dma_start3A_244 = arith.constant 0 : i32
        %dma_start3A_245 = tpu.memref_slice %run_scoped3A[%dma_start3A_242, %dma_start3A_243, %dma_start3A_244] : memref<4x32x768xf32, #tpu.memory_space<vmem>> -> memref<1x32x768xf32, #tpu.memory_space<vmem>>
        %dma_start3A_246 = tpu.memref_squeeze %dma_start3A_245 : memref<1x32x768xf32, #tpu.memory_space<vmem>> -> memref<32x768xf32, #tpu.memory_space<vmem>>
        %dma_start3A_247 = arith.constant 0 : i32
        %dma_start3A_248 = tpu.memref_slice %arg5[%add3A_241, %dma_start3A_247] : memref<409600x768xf32, #tpu.memory_space<hbm>> -> memref<32x768xf32, #tpu.memory_space<hbm>>
        %dma_start3A_249 = arith.constant 0 : i32
        %dma_start3A_250 = tpu.memref_slice %arg5[%add3A_241, %dma_start3A_249] : memref<409600x768xf32, #tpu.memory_space<hbm>> -> memref<32x768xf32, #tpu.memory_space<hbm>>
        %dma_start3A_251 = arith.constant 0 : i32
        %dma_start3A_252 = arith.constant 0 : i32
        %dma_start3A_253 = tpu.memref_slice %run_scoped3A[%dma_start3A_242, %dma_start3A_251, %dma_start3A_252] : memref<4x32x768xf32, #tpu.memory_space<vmem>> -> memref<1x32x768xf32, #tpu.memory_space<vmem>>
        %dma_start3A_254 = tpu.memref_squeeze %dma_start3A_253 : memref<1x32x768xf32, #tpu.memory_space<vmem>> -> memref<32x768xf32, #tpu.memory_space<vmem>>
        tpu.enqueue_dma source(%dma_start3A_254 : memref<32x768xf32, #tpu.memory_space<vmem>>) target(%dma_start3A_250 : memref<32x768xf32, #tpu.memory_space<hbm>>) target_semaphore(%arg15 : memref<!tpu.dma_semaphore, #tpu.memory_space<semaphore_mem>>)
      }
      %scan3A_6 = arith.constant 100 : i32
      %add3A_7 = arith.constant 12672 : i32
      %add3A_8 = arith.addi %mul3A_2, %add3A_7 : i32
      %dma_wait3A = arith.constant 0 : i32
      %dma_wait3A_9 = arith.constant 0 : i32
      %dma_wait3A_10 = arith.constant 0 : i32
      %dma_wait3A_11 = tpu.memref_slice %run_scoped3A[%dma_wait3A, %dma_wait3A_9, %dma_wait3A_10] : memref<4x32x768xf32, #tpu.memory_space<vmem>> -> memref<1x32x768xf32, #tpu.memory_space<vmem>>
      %dma_wait3A_12 = tpu.memref_squeeze %dma_wait3A_11 : memref<1x32x768xf32, #tpu.memory_space<vmem>> -> memref<32x768xf32, #tpu.memory_space<vmem>>
      %dma_wait3A_13 = arith.constant 0 : i32
      %dma_wait3A_14 = tpu.memref_slice %arg5[%add3A_8, %dma_wait3A_13] : memref<409600x768xf32, #tpu.memory_space<hbm>> -> memref<32x768xf32, #tpu.memory_space<hbm>>
      %dma_wait3A_15 = arith.constant 0 : i32
      %dma_wait3A_16 = tpu.memref_slice %arg5[%add3A_8, %dma_wait3A_15] : memref<409600x768xf32, #tpu.memory_space<hbm>> -> memref<32x768xf32, #tpu.memory_space<hbm>>
      %dma_wait3A_17 = arith.constant 0 : i32
      %dma_wait3A_18 = arith.constant 0 : i32
      %dma_wait3A_19 = tpu.memref_slice %run_scoped3A[%dma_wait3A, %dma_wait3A_17, %dma_wait3A_18] : memref<4x32x768xf32, #tpu.memory_space<vmem>> -> memref<1x32x768xf32, #tpu.memory_space<vmem>>
      %dma_wait3A_20 = tpu.memref_squeeze %dma_wait3A_19 : memref<1x32x768xf32, #tpu.memory_space<vmem>> -> memref<32x768xf32, #tpu.memory_space<vmem>>
      tpu.wait_dma2 semaphore(%arg12 : memref<!tpu.dma_semaphore, #tpu.memory_space<semaphore_mem>>) src(%dma_wait3A_20 : memref<32x768xf32, #tpu.memory_space<vmem>>) dst(%dma_wait3A_16 : memref<32x768xf32, #tpu.memory_space<hbm>>)
      %add3A_21 = arith.constant 12704 : i32
      %add3A_22 = arith.addi %mul3A_2, %add3A_21 : i32
      %dma_wait3A_23 = arith.constant 1 : i32
      %dma_wait3A_24 = arith.constant 0 : i32
      %dma_wait3A_25 = arith.constant 0 : i32
      %dma_wait3A_26 = tpu.memref_slice %run_scoped3A[%dma_wait3A_23, %dma_wait3A_24, %dma_wait3A_25] : memref<4x32x768xf32, #tpu.memory_space<vmem>> -> memref<1x32x768xf32, #tpu.memory_space<vmem>>
      %dma_wait3A_27 = tpu.memref_squeeze %dma_wait3A_26 : memref<1x32x768xf32, #tpu.memory_space<vmem>> -> memref<32x768xf32, #tpu.memory_space<vmem>>
      %dma_wait3A_28 = arith.constant 0 : i32
      %dma_wait3A_29 = tpu.memref_slice %arg5[%add3A_22, %dma_wait3A_28] : memref<409600x768xf32, #tpu.memory_space<hbm>> -> memref<32x768xf32, #tpu.memory_space<hbm>>
      %dma_wait3A_30 = arith.constant 0 : i32
      %dma_wait3A_31 = tpu.memref_slice %arg5[%add3A_22, %dma_wait3A_30] : memref<409600x768xf32, #tpu.memory_space<hbm>> -> memref<32x768xf32, #tpu.memory_space<hbm>>
      %dma_wait3A_32 = arith.constant 0 : i32
      %dma_wait3A_33 = arith.constant 0 : i32
      %dma_wait3A_34 = tpu.memref_slice %run_scoped3A[%dma_wait3A_23, %dma_wait3A_32, %dma_wait3A_33] : memref<4x32x768xf32, #tpu.memory_space<vmem>> -> memref<1x32x768xf32, #tpu.memory_space<vmem>>
      %dma_wait3A_35 = tpu.memref_squeeze %dma_wait3A_34 : memref<1x32x768xf32, #tpu.memory_space<vmem>> -> memref<32x768xf32, #tpu.memory_space<vmem>>
      tpu.wait_dma2 semaphore(%arg13 : memref<!tpu.dma_semaphore, #tpu.memory_space<semaphore_mem>>) src(%dma_wait3A_35 : memref<32x768xf32, #tpu.memory_space<vmem>>) dst(%dma_wait3A_31 : memref<32x768xf32, #tpu.memory_space<hbm>>)
      %add3A_36 = arith.constant 12736 : i32
      %add3A_37 = arith.addi %mul3A_2, %add3A_36 : i32
      %dma_wait3A_38 = arith.constant 2 : i32
      %dma_wait3A_39 = arith.constant 0 : i32
      %dma_wait3A_40 = arith.constant 0 : i32
      %dma_wait3A_41 = tpu.memref_slice %run_scoped3A[%dma_wait3A_38, %dma_wait3A_39, %dma_wait3A_40] : memref<4x32x768xf32, #tpu.memory_space<vmem>> -> memref<1x32x768xf32, #tpu.memory_space<vmem>>
      %dma_wait3A_42 = tpu.memref_squeeze %dma_wait3A_41 : memref<1x32x768xf32, #tpu.memory_space<vmem>> -> memref<32x768xf32, #tpu.memory_space<vmem>>
      %dma_wait3A_43 = arith.constant 0 : i32
      %dma_wait3A_44 = tpu.memref_slice %arg5[%add3A_37, %dma_wait3A_43] : memref<409600x768xf32, #tpu.memory_space<hbm>> -> memref<32x768xf32, #tpu.memory_space<hbm>>
      %dma_wait3A_45 = arith.constant 0 : i32
      %dma_wait3A_46 = tpu.memref_slice %arg5[%add3A_37, %dma_wait3A_45] : memref<409600x768xf32, #tpu.memory_space<hbm>> -> memref<32x768xf32, #tpu.memory_space<hbm>>
      %dma_wait3A_47 = arith.constant 0 : i32
      %dma_wait3A_48 = arith.constant 0 : i32
      %dma_wait3A_49 = tpu.memref_slice %run_scoped3A[%dma_wait3A_38, %dma_wait3A_47, %dma_wait3A_48] : memref<4x32x768xf32, #tpu.memory_space<vmem>> -> memref<1x32x768xf32, #tpu.memory_space<vmem>>
      %dma_wait3A_50 = tpu.memref_squeeze %dma_wait3A_49 : memref<1x32x768xf32, #tpu.memory_space<vmem>> -> memref<32x768xf32, #tpu.memory_space<vmem>>
      tpu.wait_dma2 semaphore(%arg14 : memref<!tpu.dma_semaphore, #tpu.memory_space<semaphore_mem>>) src(%dma_wait3A_50 : memref<32x768xf32, #tpu.memory_space<vmem>>) dst(%dma_wait3A_46 : memref<32x768xf32, #tpu.memory_space<hbm>>)
      %add3A_51 = arith.constant 12768 : i32
      %add3A_52 = arith.addi %mul3A_2, %add3A_51 : i32
      %dma_wait3A_53 = arith.constant 3 : i32
      %dma_wait3A_54 = arith.constant 0 : i32
      %dma_wait3A_55 = arith.constant 0 : i32
      %dma_wait3A_56 = tpu.memref_slice %run_scoped3A[%dma_wait3A_53, %dma_wait3A_54, %dma_wait3A_55] : memref<4x32x768xf32, #tpu.memory_space<vmem>> -> memref<1x32x768xf32, #tpu.memory_space<vmem>>
      %dma_wait3A_57 = tpu.memref_squeeze %dma_wait3A_56 : memref<1x32x768xf32, #tpu.memory_space<vmem>> -> memref<32x768xf32, #tpu.memory_space<vmem>>
      %dma_wait3A_58 = arith.constant 0 : i32
      %dma_wait3A_59 = tpu.memref_slice %arg5[%add3A_52, %dma_wait3A_58] : memref<409600x768xf32, #tpu.memory_space<hbm>> -> memref<32x768xf32, #tpu.memory_space<hbm>>
      %dma_wait3A_60 = arith.constant 0 : i32
      %dma_wait3A_61 = tpu.memref_slice %arg5[%add3A_52, %dma_wait3A_60] : memref<409600x768xf32, #tpu.memory_space<hbm>> -> memref<32x768xf32, #tpu.memory_space<hbm>>
      %dma_wait3A_62 = arith.constant 0 : i32
      %dma_wait3A_63 = arith.constant 0 : i32
      %dma_wait3A_64 = tpu.memref_slice %run_scoped3A[%dma_wait3A_53, %dma_wait3A_62, %dma_wait3A_63] : memref<4x32x768xf32, #tpu.memory_space<vmem>> -> memref<1x32x768xf32, #tpu.memory_space<vmem>>
      %dma_wait3A_65 = tpu.memref_squeeze %dma_wait3A_64 : memref<1x32x768xf32, #tpu.memory_space<vmem>> -> memref<32x768xf32, #tpu.memory_space<vmem>>
      tpu.wait_dma2 semaphore(%arg15 : memref<!tpu.dma_semaphore, #tpu.memory_space<semaphore_mem>>) src(%dma_wait3A_65 : memref<32x768xf32, #tpu.memory_space<vmem>>) dst(%dma_wait3A_61 : memref<32x768xf32, #tpu.memory_space<hbm>>)
      tpu.yield
    }) : () -> ()
    "tpu.region"() ({
      %run_scoped3A = memref.alloca() : memref<100001xf32, #tpu.memory_space<vmem>>
      %run_scoped3A_3 = memref.alloca() : memref<12800xf32, #tpu.memory_space<vmem>>
      "tpu.region"() ({
        %run_scoped3A_8 = tpu.sem_alloc : memref<!tpu.dma_semaphore, #tpu.memory_space<semaphore_mem>>
        tpu.enqueue_dma source(%arg4 : memref<100001xf32, #tpu.memory_space<hbm>>) target(%run_scoped3A : memref<100001xf32, #tpu.memory_space<vmem>>) target_semaphore(%run_scoped3A_8 : memref<!tpu.dma_semaphore, #tpu.memory_space<semaphore_mem>>)
        tpu.wait_dma2 semaphore(%run_scoped3A_8 : memref<!tpu.dma_semaphore, #tpu.memory_space<semaphore_mem>>) src(%arg4 : memref<100001xf32, #tpu.memory_space<hbm>>) dst(%run_scoped3A : memref<100001xf32, #tpu.memory_space<vmem>>)
        tpu.yield
      }) : () -> ()
      %scan3A = arith.constant 0 : i32
      %scan3A_4 = arith.constant 800 : i32
      %scan3A_5 = arith.addi %scan3A, %scan3A_4 : i32
      %scan3A_6 = arith.constant 1 : i32
      scf.for %scan3A_8 = %scan3A to %scan3A_5 step %scan3A_6  : i32 {
        %mul3A_9 = arith.constant 1 : i32
        %mul3A_10 = arith.muli %scan3A_8, %mul3A_9 : i32
        %add3A_11 = arith.constant 0 : i32
        %add3A_12 = arith.addi %add3A_11, %mul3A_10 : i32
        %mul3A_13 = arith.constant 16 : i32
        %mul3A_14 = arith.muli %add3A_12, %mul3A_13 : i32
        %get3A = arith.index_cast %mul3A_14 : i32 to index
        %get3A_15 = tpu.vector_load %arg7[%get3A] {strides = array<i32>} : memref<12800xi32, #tpu.memory_space<vmem>>, vector<16xi32>,
        %gather3A = tpu.vector_load_idx %run_scoped3A[%get3A_15] : memref<100001xf32, #tpu.memory_space<vmem>>[vector<16xi32>], vector<16xf32>,
        %mul3A_16 = arith.constant 16 : i32
        %mul3A_17 = arith.muli %add3A_12, %mul3A_16 : i32
        %swap3A = arith.index_cast %mul3A_17 : i32 to index
        %swap3A_18 = tpu.vector_load %run_scoped3A_3[%swap3A] {strides = array<i32>} : memref<12800xf32, #tpu.memory_space<vmem>>, vector<16xf32>,
        tpu.vector_store %run_scoped3A_3[%swap3A], %gather3A {strides = array<i32>} : memref<12800xf32, #tpu.memory_space<vmem>>, vector<16xf32>,
      }
      %scan3A_7 = arith.constant 800 : i32
      "tpu.region"() ({
        %run_scoped3A_8 = tpu.sem_alloc : memref<!tpu.dma_semaphore, #tpu.memory_space<semaphore_mem>>
        %dma_start3A = tpu.memref_slice %arg6[%mul3A_2] : memref<409600xf32, #tpu.memory_space<hbm>> -> memref<12800xf32, #tpu.memory_space<hbm>>
        %dma_start3A_9 = tpu.memref_slice %arg6[%mul3A_2] : memref<409600xf32, #tpu.memory_space<hbm>> -> memref<12800xf32, #tpu.memory_space<hbm>>
        tpu.enqueue_dma source(%run_scoped3A_3 : memref<12800xf32, #tpu.memory_space<vmem>>) target(%dma_start3A_9 : memref<12800xf32, #tpu.memory_space<hbm>>) target_semaphore(%run_scoped3A_8 : memref<!tpu.dma_semaphore, #tpu.memory_space<semaphore_mem>>)
        %dma_wait3A = tpu.memref_slice %arg6[%mul3A_2] : memref<409600xf32, #tpu.memory_space<hbm>> -> memref<12800xf32, #tpu.memory_space<hbm>>
        %dma_wait3A_10 = tpu.memref_slice %arg6[%mul3A_2] : memref<409600xf32, #tpu.memory_space<hbm>> -> memref<12800xf32, #tpu.memory_space<hbm>>
        tpu.wait_dma2 semaphore(%run_scoped3A_8 : memref<!tpu.dma_semaphore, #tpu.memory_space<semaphore_mem>>) src(%run_scoped3A_3 : memref<12800xf32, #tpu.memory_space<vmem>>) dst(%dma_wait3A_10 : memref<12800xf32, #tpu.memory_space<hbm>>)
        tpu.yield
      }) : () -> ()
      tpu.yield
    }) : () -> ()
    return
  }
}

</mosaic_0001>

<sc_bundles>
// kernel: _gather.3.cloned.1.call-start
scs
__scs_entry_jumppad:
0x0: {  	(pc) =	sbr.rel $0x88, $3  }
0x1: {  	(tag) =	ssettag $0x0;
	lr =	simm.s32 $0x1  }
0x2: {  	[smem:$0x3F9E] =	sst lr;
	_ =	strace $0xD0000000  }
0x3: {  	_ = 	snop  }
0x4: {  	_ = 	snop  }
0x5: {  	_ = 	snop  }
0x6: {  	_ = 	snop  }
0x7: {  	_ = 	snop  }
__scs_overlays_trampoline_lowered:
0x8: {  	[smem:$0x3FAD] =	sst s0  }
0x9: {  	[smem:$0x3FAE] =	sst s1  }
0xa: {  	[smem:$0x3FAF] =	sst s2  }
0xb: {  	[smem:$0x3FB0] =	sst s3  }
0xc: {  	[smem:$0x3FB1] =	sst s4  }
0xd: {  	[smem:$0x3FB2] =	sst s5  }
0xe: {  	[smem:$0x3FB3] =	sst s6  }
0xf: {  	[smem:$0x3FB4] =	sst s7  }
0x10: {  	[smem:$0x3FB5] =	sst s8  }
0x11: {  	[smem:$0x3FB6] =	sst s9;
	s0 =	simm.s32 @!p0 $0x0  }
0x12: {  	s1 =	sld [smem:$0x3F9C];
	s0 =	simm.s32 @p0 $0x1  }
0x13: {  	[smem:$0x3FB7] =	sst s0;
	s0 =	simm.s32 @!p1 $0x0  }
0x14: {  	s2 =	sld [smem:$0x3F9B];
	s0 =	simm.s32 @p1 $0x1  }
0x15: {  	[smem:$0x3FB8] =	sst s0;
	s0 =	simm.s32 @!p2 $0x0  }
0x16: {  	s3 =	sld [smem:$0x3FDB];
	s0 =	simm.s32 @p2 $0x1  }
0x17: {  	s4 =	simm.s32 $0x1BF5;
	[smem:$0x3FBA] =	sst s0  }
0x18: {  	s0 =	sld [smem:$0x3F9D];
	_ =	swait.ge [sflag:s4], $0x0  }
0x19: {  	s7 =	sld [smem:$0x3F9E]  }
0x1a: {  	s8 =	sadd.s32 $0xFFFFE003, lr  }
0x1b: {  	s9 =	sadd.s32 $0xFFFFFEF7, lr;
	s5 =	simm.s32 $0xFFFFFFFF;
	p2 =	slt.u32 s8, $0xFFFFF086  }
0x1c: {  	p1 =	slt.u32 s9, $0xF7A;
	s5 =	simm.s32 @!p2 $0x0  }
0x1d: {  	s5 =	simm.s32 @p1 $0x1;
	p0 =	seq.s32 s7, s2  }
0x1e: {  	s7 =	smul.u32 @!p0 $0xF7A, s2;
	p2 =	seq.s32 @!p0 s5, $0x0  }
0x1f: {  	s9 =	smul.u32 $0xF7A, s1;
	s8 =	simm.s32 @!p0 $0x1BF5;
	p2 =	por !p2, p0  }
0x20: {  	[sflag:s8] =	ssyncset.s32 @!p0 $0xFFFFF086;
	s6 =	sadd.s32 @!p0 s3, s7;
	s7 =	simm.s32 @!p0 $0x108  }
0x21: {  	s3 =	sadd.s32 s3, s9;
	s6 =	sadd.s32 @!p0 $0x88, s6;
	s7 =	simm.s32 @p2 $0x1082  }
0x22: {  	[simem:s7], [sflag:s8] =	dma.local @!p0 [hbm:s6], $0xF7A  }
0x23: {  	s9 =	sor.u32 $0xD0000000, s2;
	s6 =	simm.s32 $0x108;
	_ =	swait.ge @!p0 [sflag:s8], $0x0  }
0x24: {  	s3 =	sadd.s32 $0x88, s3;
	s6 =	simm.s32 @!p1 $0x1082;
	[sflag:s4] =	ssyncset.s32 $0xFFFFF086  }
0x25: {  	[simem:s6], [sflag:s4] =	dma.local [hbm:s3], $0xF7A  }
0x26: {  	[smem:$0x3F9E] =	sst s1;
	(tag) =	ssettag s2;
	_ =	strace s9  }
0x27: {  	s1 =	sld [smem:$0x3FAE]  }
0x28: {  	s2 =	sld [smem:$0x3FAF]  }
0x29: {  	s4 =	sld [smem:$0x3FB1]  }
0x2a: {  	p0 =	seq.s32 s5, $0x0;
	s5 =	sld [smem:$0x3FB2]  }
0x2b: {  	s6 =	sld [smem:$0x3FB3]  }
0x2c: {  	s7 =	sld [smem:$0x3FB4]  }
0x2d: {  	s3 =	simm.s32 $0x108;
	s8 =	sld [smem:$0x3FB5]  }
0x2e: {  	s3 =	simm.s32 @!p0 $0x1082;
	s9 =	sld [smem:$0x3FB6]  }
0x2f: {  	lr =	sadd.s32 s0, s3;
	s0 =	sld [smem:$0x3FAD]  }
0x30: {  	s3 =	sld [smem:$0x3FB0]  }
0x31: {  	[smem:$0x3FB9] =	sst s10  }
0x32: {  	s10 =	sld [smem:$0x3FB7];
	_ =	sdelay $0x3  }
0x33: {  	p0 =	seq.s32 s10, $0x1;
	s10 =	sld [smem:$0x3FB9];
	_ =	sdelay $0x3  }
0x34: {  	[smem:$0x3FB9] =	sst s10  }
0x35: {  	s10 =	sld [smem:$0x3FB8];
	_ =	sdelay $0x3  }
0x36: {  	p1 =	seq.s32 s10, $0x1;
	s10 =	sld [smem:$0x3FB9];
	_ =	sdelay $0x3  }
0x37: {  	[smem:$0x3FB9] =	sst s10  }
0x38: {  	s10 =	sld [smem:$0x3FBA]  }
0x39: {  	_ = 	snop;
	(pc) =	sbr.ind lr, $3  }
0x3a: {  	_ = 	snop  }
0x3b: {  	_ = 	snop  }
0x3c: {  	p2 =	seq.s32 s10, $0x1;
	s10 =	sld [smem:$0x3FB9]  }
0x3d: {  	_ =	shalt  }
0x3e: {  	_ =	shalt  }
0x3f: {  	_ =	shalt  }
0x40: {  	_ =	shalt  }
0x41: {  	_ =	shalt  }
0x42: {  	_ =	shalt  }
0x43: {  	_ =	shalt  }
0x44: {  	_ =	shalt  }
0x45: {  	_ =	shalt  }
0x46: {  	_ =	shalt  }
0x47: {  	_ =	shalt  }
0x48: {  	_ =	shalt  }
0x49: {  	_ =	shalt  }
0x4a: {  	_ =	shalt  }
0x4b: {  	_ =	shalt  }
0x4c: {  	_ =	shalt  }
0x4d: {  	_ =	shalt  }
0x4e: {  	_ =	shalt  }
0x4f: {  	_ =	shalt  }
0x50: {  	_ =	shalt  }
0x51: {  	_ =	shalt  }
0x52: {  	_ =	shalt  }
0x53: {  	_ =	shalt  }
0x54: {  	_ =	shalt  }
0x55: {  	_ =	shalt  }
0x56: {  	_ =	shalt  }
0x57: {  	_ =	shalt  }
0x58: {  	_ =	shalt  }
0x59: {  	_ =	shalt  }
0x5a: {  	_ =	shalt  }
0x5b: {  	_ =	shalt  }
0x5c: {  	_ =	shalt  }
0x5d: {  	_ =	shalt  }
0x5e: {  	_ =	shalt  }
0x5f: {  	_ =	shalt  }
0x60: {  	_ =	shalt  }
0x61: {  	_ =	shalt  }
0x62: {  	_ =	shalt  }
0x63: {  	_ =	shalt  }
0x64: {  	_ =	shalt  }
0x65: {  	_ =	shalt  }
0x66: {  	_ =	shalt  }
0x67: {  	_ =	shalt  }
0x68: {  	_ =	shalt  }
0x69: {  	_ =	shalt  }
0x6a: {  	_ =	shalt  }
0x6b: {  	_ =	shalt  }
0x6c: {  	_ =	shalt  }
0x6d: {  	_ =	shalt  }
0x6e: {  	_ =	shalt  }
0x6f: {  	_ =	shalt  }
0x70: {  	_ =	shalt  }
0x71: {  	_ =	shalt  }
0x72: {  	_ =	shalt  }
0x73: {  	_ =	shalt  }
0x74: {  	_ =	shalt  }
0x75: {  	_ =	shalt  }
0x76: {  	_ =	shalt  }
0x77: {  	_ =	shalt  }
0x78: {  	_ =	shalt  }
0x79: {  	_ =	shalt  }
0x7a: {  	_ =	shalt  }
0x7b: {  	_ =	shalt  }
0x7c: {  	_ =	shalt  }
0x7d: {  	_ =	shalt  }
0x7e: {  	_ =	shalt  }
0x7f: {  	_ =	shalt  }
0x80: {  	_ =	shalt  }
0x81: {  	_ =	shalt  }
0x82: {  	_ =	shalt  }
0x83: {  	_ =	shalt  }
0x84: {  	_ =	shalt  }
0x85: {  	_ =	shalt  }
0x86: {  	_ =	shalt  }
0x87: {  	_ =	shalt  }
.Lfunc_end0:
.L_simem_size_0:
called_computation_lowered:
.L_overlay_start_0:
0x88: {  	s2 =	sld [smem:$0x3FD9]  }
0x89: {  	s3 =	sld [smem:$0x3FFE];
	_ =	sdelay $0x1  }
0x8a: {  	s1 =	srdreg.scid  }
0x8b: {  	s0 =	sand.u32 $0x1, s1  }
0x8c: {  	s15 =	sshll.u32 s0, $0xA;
	s2 =	sadd.s32 s3, s2  }
0x8d: {  	s2 =	sadd.s32 s2, s15  }
0x8e: {  	[smem:$0x3FC5] =	sst s2  }
0x8f: {  	_ = 	snop  }
0x90: {  	s2 =	sld [smem:$0x3FD0]  }
0x91: {  	s16 =	sld [smem:$0x3FC9]  }
0x92: {  	s4 =	sld [smem:$0x3FC8]  }
0x93: {  	s6 =	simm.s32 $0xA;
	s7 =	simm.s32 $0x10;
	s5 =	sld [smem:$0x3FC7]  }
0x94: {  	[smem:s7], [sflag:s6] =	dma.local [hbm:s2], $0x1  }
0x95: {  	_ =	swait.eq [sflag:s6], $0x1  }
0x96: {  	[sflag:s6] =	ssyncset.done $0x0  }
0x97: {  	s17 =	sld [smem:$0x10];
	[sflag:s6] =	ssyncadd.s32 $0xFFFFFFFF  }
0x98: {  	s18 =	sld [smem:$0x11];
	(tm) =	ssettm $0x1  }
0x99: {  	s19 =	sld [smem:$0x3FFB];
	_ =	sdelay $0x3  }
0x9a: {  	_ =	strace s19  }
0x9b: {  	s7 =	sld [smem:$0x3FFC];
	_ =	sdelay $0x3  }
0x9c: {  	_ =	strace s7  }
0x9d: {  	s7 =	sld [smem:$0x3FFD];
	_ =	sdelay $0x3  }
0x9e: {  	_ =	strace s7  }
0x9f: {  	_ =	strace $0x8FFFFFFF  }
0xa0: {  	s20 =	sld [smem:$0x3FDB];
	_ =	sdelay $0x1  }
0xa1: {  	s8 =	simm.s32 $_scs_section_size  }
0xa2: {  	s9 =	simm.s32 $_size__tile_overlayer_lowered;
	s10 =	simm.s32 $_tile_overlayer_lowered  }
0xa3: {  	s23 =	simm.s32 $0x1BFF;
	s22 =	sshll.u32 s10, $0x1;
	s7 =	sadd.s32 s8, s20  }
0xa4: {  	s11 =	simm.s32 $0x0;
	s21 =	sshll.u32 s9, $0x1;
	s9 =	sadd.s32 s22, s7  }
0xa5: {  	[timem:s11], [sflag:s23] =	dma.local [hbm:s9], s21  }
0xa6: {  	_ =	swait.ge [sflag:s23], s21  }
0xa7: {  	s8 =	ssub.s32 $0x0, s21;
	[sflag:s23] =	ssyncset.done $0x0  }
0xa8: {  	[sflag:s23] =	ssyncadd.s32 s8;
	_ =	sdelay $0x1  }
0xa9: {  	s24 =	simm.s32 $0x1B8B  }
0xaa: {  	_ =	swait.ge [sflag:s24], $0x1  }
0xab: {  	[sflag:s24] =	ssyncset.done $0x0  }
0xac: {  	s25 =	simm.s32 $0x1B8E;
	[sflag:s24] =	ssyncadd.s32 $0xFFFFFFFF  }
0xad: {  	s26 =	simm.s32 $execute0_lowered;
	[smem:$0x3FD2] =	sst s25  }
0xae: {  	s8 =	sshll.u32 s26, $0x1;
	_ =	strace $0x80000046;
	[dreg:$0x1] =	wrdreg $0xFFFFFFFF  }
0xaf: {  	s28 =	simm.s32 $_size_execute0_lowered;
	s7 =	sadd.s32 s7, s8;
	[dreg:$0x0] =	wrdreg $0x0  }
0xb0: {  	s8 =	sshll.u32 s28, $0x1;
	[dreg:$0x2] =	wrdreg s7  }
0xb1: {  	[dreg:$0x3] =	wrdreg s8  }
0xb2: {  	[dreg:$0x4] =	wrdreg $0xC0  }
0xb3: {  	_ =	task [dreg:s11], $0x5FFFF  }
0xb4: {  	[dreg:$0x1] =	wrdreg $0xFFFFFFFF  }
0xb5: {  	[dreg:$0x0] =	wrdreg $0x60  }
0xb6: {  	[dreg:$0x2] =	wrdreg s16  }
0xb7: {  	[dreg:$0x3] =	wrdreg s4  }
0xb8: {  	[dreg:$0x4] =	wrdreg s5  }
0xb9: {  	[dreg:$0x5] =	wrdreg s17  }
0xba: {  	[dreg:$0x6] =	wrdreg s18  }
0xbb: {  	[dreg:$0x7] =	wrdreg $0x9  }
0xbc: {  	_ =	task.clear_ibuf [dreg:s11], $0x8FFFF;
	_ =	strace $0x90000046  }
0xbd: {  	s29 =	simm.s32 $0x9;
	_ =	strace $0x80000048  }
0xbe: {  	_ =	swait.ge [sflag:s29], $0x1  }
0xbf: {  	[sflag:s29] =	ssyncadd.s32 $0xFFFFFFFF  }
0xc0: {  	_ =	strace $0x90000048  }
0xc1: {  	_ =	sfence  }
0xc2: {  	s30 =	sld [smem:$0x0];
	_ =	sdelay $0x2  }
0xc3: {  	s31 =	sshll.u32 s1, $0xD;
	s1 =	sshrl.u32 s1, $0x2  }
0xc4: {  	s3 =	sand.u32 $0x4000, s31;
	s1 =	sadd.s32 s1, s30  }
0xc5: {  	s0 =	sor.u32 s3, s0;
	s1 =	sshll.u32 s1, $0x11  }
0xc6: {  	s0 =	sor.u32 s1, s0  }
0xc7: {  	s0 =	sadd.s32 $0x8F2B, s0  }
0xc8: {  	[sflag:s0] =	ssyncadd.remote.s32 $0x1  }
0xc9: {  	_ =	sfence.sel $0xFFFF  }
0xca: {  	[dreg:$0x0] =	wrdreg $0xFFFFFFFF;
	(pc) =	sbr.abs _section_cstart, $3  }
0xcb: {  	[dreg:$0x1] =	wrdreg $0xFFFFFFFF  }
0xcc: {  	_ =	task.clear_ibuf [dreg:s11], $0x2FFFF;
	_ =	strace $0x9FFFFFFF  }
0xcd: {  	(tm) =	ssettm $0x7FFFFFFF  }
tec
execute0_lowered:
.L_overlay_start_1:
0x0: {  	(tag) =	ssettag $0x1  }
0x1: {  	s1 =	rddreg [dreg:$0x0]  }
0x2: {  	s2 =	rddreg [dreg:$0x1]  }
0x3: {  	s0 =	srdreg.scid;
	s5 =	rddreg [dreg:$0x3]  }
0x4: {  	s4 =	simm.s32 $0x0;
	s3 =	sand.u32 $0x1, s0;
	s0 =	rddreg [dreg:$0x4]  }
0x5: {  	s11 =	simm.s32 $0x5A00;
	[smem:$0x7FF] =	sst s4  }
0x6: {  	s12 =	simm.s32 $0x6200;
	_ =	strace $0x80000047;
	[dreg:$0xe] =	wrdreg s11  }
0x7: {  	s13 =	simm.s32 $0x6A00;
	[dreg:$0xf] =	wrdreg s12  }
0x8: {  	s14 =	simm.s32 $0x7200;
	[dreg:$0x10] =	wrdreg s13  }
0x9: {  	s15 =	simm.s32 $0x7A00;
	[dreg:$0x11] =	wrdreg s14  }
0xa: {  	s16 =	simm.s32 $0x8200;
	[dreg:$0x12] =	wrdreg s15  }
0xb: {  	s17 =	simm.s32 $0x8A00;
	[dreg:$0x13] =	wrdreg s16  }
0xc: {  	s18 =	simm.s32 $0x9A00;
	[dreg:$0x14] =	wrdreg s17  }
0xd: {  	s19 =	simm.s32 $0xA200;
	[dreg:$0x15] =	wrdreg s18  }
0xe: {  	s20 =	simm.s32 $0xAA00;
	[dreg:$0x16] =	wrdreg s19  }
0xf: {  	s21 =	simm.s32 $0xB200;
	[dreg:$0x17] =	wrdreg s20  }
0x10: {  	s22 =	simm.s32 $0xBA00;
	[dreg:$0x18] =	wrdreg s21  }
0x11: {  	s23 =	simm.s32 $0xC200;
	[dreg:$0x19] =	wrdreg s22  }
0x12: {  	s24 =	simm.s32 $0xCA00;
	[dreg:$0x1a] =	wrdreg s23  }
0x13: {  	[dreg:$0x1b] =	wrdreg s24;
	s11 =	simm.s32 $0xFA00  }
0x14: {  	s13 =	simm.s32 $0x10200;
	[smem:$0x7EE] =	sst s11  }
0x15: {  	s14 =	simm.s32 $0x10A00;
	[smem:$0x7EF] =	sst s13  }
0x16: {  	s15 =	simm.s32 $0x11200;
	[smem:$0x7F0] =	sst s14  }
0x17: {  	s10 =	stileid.u32;
	s17 =	simm.s32 $0x11A00;
	[smem:$0x7F1] =	sst s15  }
0x18: {  	s28 =	simm.s32 $0x5;
	s18 =	simm.s32 $0x12200;
	[smem:$0x7F2] =	sst s17  }
0x19: {  	s29 =	simm.s32 $0x6;
	s19 =	simm.s32 $0x12A00;
	[smem:$0x7F4] =	sst s18  }
0x1a: {  	s30 =	simm.s32 $0x7;
	s20 =	simm.s32 $0x13200;
	[smem:$0x7F5] =	sst s19  }
0x1b: {  	s31 =	simm.s32 $0x8;
	s21 =	simm.s32 $0x13A00;
	[smem:$0x7F6] =	sst s20  }
0x1c: {  	s6 =	smul.u32 $0x6400, s10;
	s22 =	simm.s32 $0x14200;
	[smem:$0x7F8] =	sst s21  }
0x1d: {  	s7 =	smul.u32 $0x3200, s3;
	s23 =	simm.s32 $0x14A00;
	[smem:$0x7F9] =	sst s22  }
0x1e: {  	s12 =	sshll.u32 s10, $0x1;
	s24 =	simm.s32 $0x15A00;
	[smem:$0x7FA] =	sst s23  }
0x1f: {  	s10 =	simm.s32 $0x9;
	s11 =	simm.s32 $0x3200;
	[smem:$0x7FB] =	sst s24  }
0x20: {  	s13 =	simm.s32 $0xF200;
	s14 =	simm.s32 $0x15200;
	s6 =	sadd.s32 s7, s6  }
0x21: {  	s15 =	simm.s32 $0x17200;
	s7 =	sshrl.u32 s6, $0x3;
	s8 =	sor.u32 $0x60, s6  }
0x22: {  	s9 =	sor.u32 $0x20, s6;
	s7 =	smul.u32 $0x300, s7;
	s8 =	sshrl.u32 s8, $0x3  }
0x23: {  	s6 =	sor.u32 $0x40, s6;
	s9 =	sshrl.u32 s9, $0x3;
	s8 =	smul.u32 $0x300, s8  }
0x24: {  	s6 =	sshrl.u32 s6, $0x3;
	s9 =	smul.u32 $0x300, s9;
	s7 =	sadd.s32 s7, s5  }
0x25: {  	s6 =	smul.u32 $0x300, s6;
	[dreg:$0x6] =	wrdreg s7;
	s25 =	sadd.s32 s8, s5  }
0x26: {  	s17 =	simm.s32 $0x18200;
	s26 =	sadd.s32 s9, s5;
	[dreg:$0x7] =	wrdreg s25  }
0x27: {  	s18 =	simm.s32 $0x18A00;
	s5 =	sadd.s32 s6, s5;
	[dreg:$0x8] =	wrdreg s26  }
0x28: {  	s19 =	simm.s32 $0x19200;
	s6 =	simm.s32 $0x3A00;
	[dreg:$0x9] =	wrdreg s5  }
0x29: {  	s20 =	simm.s32 $0x19A00;
	s7 =	simm.s32 $0x4200;
	[dreg:$0xa] =	wrdreg s6  }
0x2a: {  	s21 =	simm.s32 $0x1A200;
	s8 =	simm.s32 $0x4A00;
	[dreg:$0xb] =	wrdreg s7  }
0x2b: {  	s22 =	simm.s32 $0x1AA00;
	s9 =	simm.s32 $0x5200;
	[dreg:$0xc] =	wrdreg s8  }
0x2c: {  	s23 =	simm.s32 $0x1;
	[dreg:$0xd] =	wrdreg s9;
	s25 =	simm.s32 $0xD200  }
0x2d: {  	s24 =	simm.s32 $0x2;
	s26 =	simm.s32 $0xDA00;
	[dreg:$0x1c] =	wrdreg s25  }
0x2e: {  	s6 =	simm.s32 $0xE200;
	s7 =	ssub.s32 $0x2, s3;
	[dreg:$0x1d] =	wrdreg s26  }
0x2f: {  	s8 =	simm.s32 $0xEA00;
	s3 =	sor.u32 s3, s12;
	[dreg:$0x1e] =	wrdreg s6  }
0x30: {  	s12 =	simm.s32 $0x9200;
	s9 =	sshrl.u32 s7, $0x1;
	[dreg:$0x1f] =	wrdreg s8  }
0x31: {  	s3 =	smul.u32 $0x3200, s3;
	s6 =	sadd.s32 $0x100, s1;
	s25 =	simm.s32 $0x16200  }
0x32: {  	s26 =	simm.s32 $0x16A00;
	s16 =	ssub.s32 s7, s9;
	[smem:$0x7FC] =	sst s25  }
0x33: {  	s7 =	sadd.s32 $0x200, s1;
	[smem:$0x7FD] =	sst s26;
	s3 =	sshrl.u32 s3, $0x3  }
0x34: {  	v2 =	vlaneseq.u32;
	s25 =	simm.s32 $0x3;
	s26 =	simm.s32 $0x4;
	s2 =	sadd.s32 s2, s3  }
0x35: {  	vm0 =	vmmov $0xffff;
	v1 =	vshrl.u32 v2, $0x3;
	s9 =	smax.u32 s16, $0x1;
	s0 =	sadd.s32 s0, s3;
	[smem:$0x7F3] =	sst s2  }
0x36: {  	v0 =	vand.u32 $0x7, v2;
	v2 =	vor.u32 $0x8, v2;
	v1 =	vmul.u32 $0x8, v1;
	s16 =	simm.s32 $0x17A00;
	[smem:$0x7F7] =	sst s0;
	s0 =	simm.s32 $0x0  }
.LBB2_1:
0x37: {  	s2 =	sld [smem:$0x7F3];
	_ =	sdelay $0x2  }
0x38: {  	[tilespmem:s4], [sflag:$0x9] =	stream.linear.gather [hbm4b:s2+s4], $0x3200, $0x38;
	[tilespmem:$0x1EB00] =	vst v63  }
0x39: {  	_ =	swait.ge [sflag:s10], $0x3200  }
0x3a: {  	[sflag:s10] =	ssyncset.done $0x0  }
0x3b: {  	s3 =	simm.s32 $0x0;
	s2 =	simm.s32 $0x40;
	[sflag:s10] =	ssyncadd.s32 $0xFFFFCE00  }
.LBB2_2:
0x3c: {  	p0 =	seq.s32 s3, $0x0  }
0x3d: {  	s5 =	simm.s32 @!p0 $0x5  }
0x3e: {  	_ =	swait.ge @!p0 [sflag:s5], $0x6000  }
0x3f: {  	[sflag:s5] =	ssyncset.done @!p0 $0x0  }
0x40: {  	[sflag:s5] =	ssyncadd.s32 @!p0 $0xFFFFA000  }
0x41: {  	v3 =	vld [tilespmem:s2+$0xFFFFFFC0];
	_ =	sdelay $0x4  }
0x42: {  	v4 =	vshrl.u32 v3, $0x3  }
0x43: {  	v4 =	vmul.u32 $0x30, v4  }
0x44: {  	v3 =	vand.u32 $0x7, v3  }
0x45: {  	v3 =	vor.u32 v3, v4  }
0x46: {  	v4 =	vperm.xlane v3, v0;
	_ =	sdelay $0x1  }
0x47: {  	v4 =	vadd.s32 v1, v4;
	_ =	sdelay $0x3  }
0x48: {  	v3 =	vperm.xlane v3, v2  }
0x49: {  	[tilespmem:s11], [sflag:$0x1] =	stream.indirect_vreg.gather [hbm4b:s1+s4], $0x80, v4, vm0, $0xb8;
	[tilespmem:$0x1EB00] =	vst v63  }
0x4a: {  	s5 =	rddreg [dreg:$0xa];
	v3 =	vadd.s32 v1, v3  }
0x4b: {  	[tilespmem:s5], [sflag:$0x1] =	stream.indirect_vreg.gather [hbm4b:s6+s4], $0x80, v4, vm0, $0xb8;
	[tilespmem:$0x1EB00] =	vst v63  }
0x4c: {  	s8 =	rddreg [dreg:$0xb]  }
0x4d: {  	[tilespmem:s8], [sflag:$0x1] =	stream.indirect_vreg.gather [hbm4b:s7+s4], $0x80, v4, vm0, $0xb8;
	[tilespmem:$0x1EB00] =	vst v63  }
0x4e: {  	s5 =	rddreg [dreg:$0xc]  }
0x4f: {  	[tilespmem:s5], [sflag:$0x1] =	stream.indirect_vreg.gather [hbm4b:s1+s4], $0x80, v3, vm0, $0xb8;
	[tilespmem:$0x1EB00] =	vst v63  }
0x50: {  	s8 =	rddreg [dreg:$0xd]  }
0x51: {  	[tilespmem:s8], [sflag:$0x1] =	stream.indirect_vreg.gather [hbm4b:s6+s4], $0x80, v3, vm0, $0xb8;
	[tilespmem:$0x1EB00] =	vst v63  }
0x52: {  	s5 =	rddreg [dreg:$0xe]  }
0x53: {  	[tilespmem:s5], [sflag:$0x1] =	stream.indirect_vreg.gather [hbm4b:s7+s4], $0x80, v3, vm0, $0xb8;
	[tilespmem:$0x1EB00] =	vst v63  }
0x54: {  	v3 =	vld [tilespmem:s2+$0xFFFFFFD0];
	_ =	sdelay $0x4  }
0x55: {  	v57 =	vshrl.u32 v3, $0x3  }
0x56: {  	v4 =	vmul.u32 $0x30, v57  }
0x57: {  	v3 =	vand.u32 $0x7, v3  }
0x58: {  	v3 =	vor.u32 v3, v4  }
0x59: {  	v4 =	vperm.xlane v3, v0;
	_ =	sdelay $0x1  }
0x5a: {  	v4 =	vadd.s32 v1, v4;
	_ =	sdelay $0x3  }
0x5b: {  	s5 =	rddreg [dreg:$0xf];
	v3 =	vperm.xlane v3, v2  }
0x5c: {  	[tilespmem:s5], [sflag:$0x1] =	stream.indirect_vreg.gather [hbm4b:s1+s4], $0x80, v4, vm0, $0xb8;
	[tilespmem:$0x1EB00] =	vst v63  }
0x5d: {  	s8 =	rddreg [dreg:$0x10];
	v3 =	vadd.s32 v1, v3  }
0x5e: {  	[tilespmem:s8], [sflag:$0x1] =	stream.indirect_vreg.gather [hbm4b:s6+s4], $0x80, v4, vm0, $0xb8;
	[tilespmem:$0x1EB00] =	vst v63  }
0x5f: {  	s5 =	rddreg [dreg:$0x11]  }
0x60: {  	[tilespmem:s5], [sflag:$0x1] =	stream.indirect_vreg.gather [hbm4b:s7+s4], $0x80, v4, vm0, $0xb8;
	[tilespmem:$0x1EB00] =	vst v63  }
0x61: {  	s8 =	rddreg [dreg:$0x12]  }
0x62: {  	[tilespmem:s8], [sflag:$0x1] =	stream.indirect_vreg.gather [hbm4b:s1+s4], $0x80, v3, vm0, $0xb8;
	[tilespmem:$0x1EB00] =	vst v63  }
0x63: {  	s5 =	rddreg [dreg:$0x13]  }
0x64: {  	[tilespmem:s5], [sflag:$0x1] =	stream.indirect_vreg.gather [hbm4b:s6+s4], $0x80, v3, vm0, $0xb8;
	[tilespmem:$0x1EB00] =	vst v63  }
0x65: {  	s8 =	rddreg [dreg:$0x14];
	s5 =	simm.s32 @!p0 $0x6  }
0x66: {  	[tilespmem:s8], [sflag:$0x1] =	stream.indirect_vreg.gather [hbm4b:s7+s4], $0x80, v3, vm0, $0xb8;
	[tilespmem:$0x1EB00] =	vst v63  }
0x67: {  	_ =	swait.ge @!p0 [sflag:s5], $0x6000  }
0x68: {  	[sflag:s5] =	ssyncset.done @!p0 $0x0  }
0x69: {  	[sflag:s5] =	ssyncadd.s32 @!p0 $0xFFFFA000  }
0x6a: {  	v3 =	vld [tilespmem:s2+$0xFFFFFFE0];
	_ =	sdelay $0x4  }
0x6b: {  	v58 =	vshrl.u32 v3, $0x3  }
0x6c: {  	v4 =	vmul.u32 $0x30, v58  }
0x6d: {  	v3 =	vand.u32 $0x7, v3  }
0x6e: {  	v3 =	vor.u32 v3, v4  }
0x6f: {  	v4 =	vperm.xlane v3, v0;
	_ =	sdelay $0x1  }
0x70: {  	v4 =	vadd.s32 v1, v4;
	_ =	sdelay $0x3  }
0x71: {  	v3 =	vperm.xlane v3, v2  }
0x72: {  	[tilespmem:s12], [sflag:$0x2] =	stream.indirect_vreg.gather [hbm4b:s1+s4], $0x80, v4, vm0, $0xb8;
	[tilespmem:$0x1EB00] =	vst v63  }
0x73: {  	s5 =	rddreg [dreg:$0x15];
	v3 =	vadd.s32 v1, v3  }
0x74: {  	[tilespmem:s5], [sflag:$0x2] =	stream.indirect_vreg.gather [hbm4b:s6+s4], $0x80, v4, vm0, $0xb8;
	[tilespmem:$0x1EB00] =	vst v63  }
0x75: {  	s8 =	rddreg [dreg:$0x16]  }
0x76: {  	[tilespmem:s8], [sflag:$0x2] =	stream.indirect_vreg.gather [hbm4b:s7+s4], $0x80, v4, vm0, $0xb8;
	[tilespmem:$0x1EB00] =	vst v63  }
0x77: {  	s5 =	rddreg [dreg:$0x17]  }
0x78: {  	[tilespmem:s5], [sflag:$0x2] =	stream.indirect_vreg.gather [hbm4b:s1+s4], $0x80, v3, vm0, $0xb8;
	[tilespmem:$0x1EB00] =	vst v63  }
0x79: {  	s8 =	rddreg [dreg:$0x18]  }
0x7a: {  	[tilespmem:s8], [sflag:$0x2] =	stream.indirect_vreg.gather [hbm4b:s6+s4], $0x80, v3, vm0, $0xb8;
	[tilespmem:$0x1EB00] =	vst v63  }
0x7b: {  	s5 =	rddreg [dreg:$0x19]  }
0x7c: {  	[tilespmem:s5], [sflag:$0x2] =	stream.indirect_vreg.gather [hbm4b:s7+s4], $0x80, v3, vm0, $0xb8;
	[tilespmem:$0x1EB00] =	vst v63  }
0x7d: {  	v3 =	vld [tilespmem:s2+$0xFFFFFFF0];
	_ =	sdelay $0x4  }
0x7e: {  	v59 =	vshrl.u32 v3, $0x3  }
0x7f: {  	v4 =	vmul.u32 $0x30, v59  }
0x80: {  	v3 =	vand.u32 $0x7, v3  }
0x81: {  	v3 =	vor.u32 v3, v4  }
0x82: {  	v4 =	vperm.xlane v3, v0;
	_ =	sdelay $0x1  }
0x83: {  	v4 =	vadd.s32 v1, v4;
	_ =	sdelay $0x3  }
0x84: {  	s5 =	rddreg [dreg:$0x1a];
	v3 =	vperm.xlane v3, v2  }
0x85: {  	[tilespmem:s5], [sflag:$0x2] =	stream.indirect_vreg.gather [hbm4b:s1+s4], $0x80, v4, vm0, $0xb8;
	[tilespmem:$0x1EB00] =	vst v63  }
0x86: {  	s8 =	rddreg [dreg:$0x1b];
	v3 =	vadd.s32 v1, v3  }
0x87: {  	[tilespmem:s8], [sflag:$0x2] =	stream.indirect_vreg.gather [hbm4b:s6+s4], $0x80, v4, vm0, $0xb8;
	[tilespmem:$0x1EB00] =	vst v63  }
0x88: {  	s5 =	rddreg [dreg:$0x1c]  }
0x89: {  	[tilespmem:s5], [sflag:$0x2] =	stream.indirect_vreg.gather [hbm4b:s7+s4], $0x80, v4, vm0, $0xb8;
	[tilespmem:$0x1EB00] =	vst v63  }
0x8a: {  	s8 =	rddreg [dreg:$0x1d]  }
0x8b: {  	[tilespmem:s8], [sflag:$0x2] =	stream.indirect_vreg.gather [hbm4b:s1+s4], $0x80, v3, vm0, $0xb8;
	[tilespmem:$0x1EB00] =	vst v63  }
0x8c: {  	s5 =	rddreg [dreg:$0x1e]  }
0x8d: {  	[tilespmem:s5], [sflag:$0x2] =	stream.indirect_vreg.gather [hbm4b:s6+s4], $0x80, v3, vm0, $0xb8;
	[tilespmem:$0x1EB00] =	vst v63  }
0x8e: {  	s8 =	rddreg [dreg:$0x1f];
	s5 =	simm.s32 @!p0 $0x7  }
0x8f: {  	[tilespmem:s8], [sflag:$0x2] =	stream.indirect_vreg.gather [hbm4b:s7+s4], $0x80, v3, vm0, $0xb8;
	[tilespmem:$0x1EB00] =	vst v63  }
0x90: {  	_ =	swait.ge @!p0 [sflag:s5], $0x6000  }
0x91: {  	[sflag:s5] =	ssyncset.done @!p0 $0x0  }
0x92: {  	[sflag:s5] =	ssyncadd.s32 @!p0 $0xFFFFA000  }
0x93: {  	v3 =	vld [tilespmem:s2+$0x0];
	_ =	sdelay $0x4  }
0x94: {  	v60 =	vshrl.u32 v3, $0x3  }
0x95: {  	v4 =	vmul.u32 $0x30, v60  }
0x96: {  	v3 =	vand.u32 $0x7, v3  }
0x97: {  	v3 =	vor.u32 v3, v4  }
0x98: {  	v4 =	vperm.xlane v3, v0;
	_ =	sdelay $0x1  }
0x99: {  	v4 =	vadd.s32 v1, v4;
	_ =	sdelay $0x3  }
0x9a: {  	s5 =	sld [smem:$0x7EE];
	v3 =	vperm.xlane v3, v2  }
0x9b: {  	[tilespmem:s13], [sflag:$0x3] =	stream.indirect_vreg.gather [hbm4b:s1+s4], $0x80, v4, vm0, $0xb8;
	[tilespmem:$0x1EB00] =	vst v63  }
0x9c: {  	s8 =	sld [smem:$0x7EF];
	v3 =	vadd.s32 v1, v3  }
0x9d: {  	[tilespmem:s5], [sflag:$0x3] =	stream.indirect_vreg.gather [hbm4b:s6+s4], $0x80, v4, vm0, $0xb8;
	[tilespmem:$0x1EB00] =	vst v63  }
0x9e: {  	s5 =	sld [smem:$0x7F0]  }
0x9f: {  	[tilespmem:s8], [sflag:$0x3] =	stream.indirect_vreg.gather [hbm4b:s7+s4], $0x80, v4, vm0, $0xb8;
	[tilespmem:$0x1EB00] =	vst v63  }
0xa0: {  	s8 =	sld [smem:$0x7F1]  }
0xa1: {  	[tilespmem:s5], [sflag:$0x3] =	stream.indirect_vreg.gather [hbm4b:s1+s4], $0x80, v3, vm0, $0xb8;
	[tilespmem:$0x1EB00] =	vst v63  }
0xa2: {  	s5 =	sld [smem:$0x7F2]  }
0xa3: {  	[tilespmem:s8], [sflag:$0x3] =	stream.indirect_vreg.gather [hbm4b:s6+s4], $0x80, v3, vm0, $0xb8;
	[tilespmem:$0x1EB00] =	vst v63  }
0xa4: {  	_ = 	snop  }
0xa5: {  	[tilespmem:s5], [sflag:$0x3] =	stream.indirect_vreg.gather [hbm4b:s7+s4], $0x80, v3, vm0, $0xb8;
	[tilespmem:$0x1EB00] =	vst v63  }
0xa6: {  	v3 =	vld [tilespmem:s2+$0x10];
	_ =	sdelay $0x4  }
0xa7: {  	v61 =	vshrl.u32 v3, $0x3  }
0xa8: {  	v4 =	vmul.u32 $0x30, v61  }
0xa9: {  	v3 =	vand.u32 $0x7, v3  }
0xaa: {  	v3 =	vor.u32 v3, v4  }
0xab: {  	v4 =	vperm.xlane v3, v0;
	_ =	sdelay $0x1  }
0xac: {  	v4 =	vadd.s32 v1, v4;
	_ =	sdelay $0x1  }
0xad: {  	s5 =	sld [smem:$0x7F4];
	_ =	sdelay $0x1  }
0xae: {  	s8 =	sld [smem:$0x7F5];
	v3 =	vperm.xlane v3, v2  }
0xaf: {  	[tilespmem:s5], [sflag:$0x3] =	stream.indirect_vreg.gather [hbm4b:s1+s4], $0x80, v4, vm0, $0xb8;
	[tilespmem:$0x1EB00] =	vst v63  }
0xb0: {  	v3 =	vadd.s32 v1, v3;
	s5 =	sld [smem:$0x7F6]  }
0xb1: {  	[tilespmem:s8], [sflag:$0x3] =	stream.indirect_vreg.gather [hbm4b:s6+s4], $0x80, v4, vm0, $0xb8;
	[tilespmem:$0x1EB00] =	vst v63  }
0xb2: {  	s8 =	sld [smem:$0x7F8]  }
0xb3: {  	[tilespmem:s5], [sflag:$0x3] =	stream.indirect_vreg.gather [hbm4b:s7+s4], $0x80, v4, vm0, $0xb8;
	[tilespmem:$0x1EB00] =	vst v63  }
0xb4: {  	s5 =	sld [smem:$0x7F9]  }
0xb5: {  	[tilespmem:s8], [sflag:$0x3] =	stream.indirect_vreg.gather [hbm4b:s1+s4], $0x80, v3, vm0, $0xb8;
	[tilespmem:$0x1EB00] =	vst v63  }
0xb6: {  	s8 =	sld [smem:$0x7FA]  }
0xb7: {  	[tilespmem:s5], [sflag:$0x3] =	stream.indirect_vreg.gather [hbm4b:s6+s4], $0x80, v3, vm0, $0xb8;
	[tilespmem:$0x1EB00] =	vst v63  }
0xb8: {  	s5 =	simm.s32 @!p0 $0x8  }
0xb9: {  	[tilespmem:s8], [sflag:$0x3] =	stream.indirect_vreg.gather [hbm4b:s7+s4], $0x80, v3, vm0, $0xb8;
	[tilespmem:$0x1EB00] =	vst v63  }
0xba: {  	_ =	swait.ge @!p0 [sflag:s5], $0x6000  }
0xbb: {  	[sflag:s5] =	ssyncset.done @!p0 $0x0  }
0xbc: {  	[sflag:s5] =	ssyncadd.s32 @!p0 $0xFFFFA000  }
0xbd: {  	v3 =	vld [tilespmem:s2+$0x20];
	_ =	sdelay $0x4  }
0xbe: {  	v62 =	vshrl.u32 v3, $0x3  }
0xbf: {  	v4 =	vmul.u32 $0x30, v62  }
0xc0: {  	v3 =	vand.u32 $0x7, v3  }
0xc1: {  	v3 =	vor.u32 v3, v4  }
0xc2: {  	v4 =	vperm.xlane v3, v0;
	_ =	sdelay $0x1  }
0xc3: {  	v4 =	vadd.s32 v1, v4;
	_ =	sdelay $0x3  }
0xc4: {  	s5 =	sld [smem:$0x7FB];
	v3 =	vperm.xlane v3, v2  }
0xc5: {  	[tilespmem:s14], [sflag:$0x4] =	stream.indirect_vreg.gather [hbm4b:s1+s4], $0x80, v4, vm0, $0xb8;
	[tilespmem:$0x1EB00] =	vst v63  }
0xc6: {  	s8 =	sld [smem:$0x7FC];
	v3 =	vadd.s32 v1, v3  }
0xc7: {  	[tilespmem:s5], [sflag:$0x4] =	stream.indirect_vreg.gather [hbm4b:s6+s4], $0x80, v4, vm0, $0xb8;
	[tilespmem:$0x1EB00] =	vst v63  }
0xc8: {  	s5 =	sld [smem:$0x7FD]  }
0xc9: {  	[tilespmem:s8], [sflag:$0x4] =	stream.indirect_vreg.gather [hbm4b:s7+s4], $0x80, v4, vm0, $0xb8;
	[tilespmem:$0x1EB00] =	vst v63  }
0xca: {  	_ = 	snop  }
0xcb: {  	[tilespmem:s5], [sflag:$0x4] =	stream.indirect_vreg.gather [hbm4b:s1+s4], $0x80, v3, vm0, $0xb8;
	[tilespmem:$0x1EB00] =	vst v63  }
0xcc: {  	_ = 	snop  }
0xcd: {  	[tilespmem:s15], [sflag:$0x4] =	stream.indirect_vreg.gather [hbm4b:s6+s4], $0x80, v3, vm0, $0xb8;
	[tilespmem:$0x1EB00] =	vst v63  }
0xce: {  	_ = 	snop  }
0xcf: {  	[tilespmem:s16], [sflag:$0x4] =	stream.indirect_vreg.gather [hbm4b:s7+s4], $0x80, v3, vm0, $0xb8;
	[tilespmem:$0x1EB00] =	vst v63  }
0xd0: {  	v3 =	vld [tilespmem:s2+$0x30];
	_ =	sdelay $0x4  }
0xd1: {  	v63 =	vshrl.u32 v3, $0x3  }
0xd2: {  	v4 =	vmul.u32 $0x30, v63  }
0xd3: {  	v3 =	vand.u32 $0x7, v3  }
0xd4: {  	v3 =	vor.u32 v3, v4  }
0xd5: {  	v4 =	vperm.xlane v3, v0;
	_ =	sdelay $0x1  }
0xd6: {  	v4 =	vadd.s32 v1, v4;
	_ =	sdelay $0x3  }
0xd7: {  	v3 =	vperm.xlane v3, v2  }
0xd8: {  	[tilespmem:s17], [sflag:$0x4] =	stream.indirect_vreg.gather [hbm4b:s1+s4], $0x80, v4, vm0, $0xb8;
	[tilespmem:$0x1EB00] =	vst v63  }
0xd9: {  	v3 =	vadd.s32 v1, v3  }
0xda: {  	[tilespmem:s18], [sflag:$0x4] =	stream.indirect_vreg.gather [hbm4b:s6+s4], $0x80, v4, vm0, $0xb8;
	[tilespmem:$0x1EB00] =	vst v63  }
0xdb: {  	_ = 	snop  }
0xdc: {  	[tilespmem:s19], [sflag:$0x4] =	stream.indirect_vreg.gather [hbm4b:s7+s4], $0x80, v4, vm0, $0xb8;
	[tilespmem:$0x1EB00] =	vst v63  }
0xdd: {  	_ = 	snop  }
0xde: {  	[tilespmem:s20], [sflag:$0x4] =	stream.indirect_vreg.gather [hbm4b:s1+s4], $0x80, v3, vm0, $0xb8;
	[tilespmem:$0x1EB00] =	vst v63  }
0xdf: {  	_ = 	snop  }
0xe0: {  	[tilespmem:s21], [sflag:$0x4] =	stream.indirect_vreg.gather [hbm4b:s6+s4], $0x80, v3, vm0, $0xb8;
	[tilespmem:$0x1EB00] =	vst v63  }
0xe1: {  	_ = 	snop  }
0xe2: {  	[tilespmem:s22], [sflag:$0x4] =	stream.indirect_vreg.gather [hbm4b:s7+s4], $0x80, v3, vm0, $0xb8;
	[tilespmem:$0x1EB00] =	vst v63  }
0xe3: {  	_ =	swait.ge [sflag:s23], $0x6000  }
0xe4: {  	s8 =	rddreg [dreg:$0x6];
	[sflag:s23] =	ssyncset.done $0x0  }
0xe5: {  	[sflag:s23] =	ssyncadd.s32 $0xFFFFA000;
	s5 =	sadd.s32 s3, s8  }
0xe6: {  	[hbm4b:s5+s4] =	stream.linear.scatter [tilespmem:s11], [sflag:$0x5], $0x6000, $0x38;
	[tilespmem:$0x1EB00] =	vst v63  }
0xe7: {  	_ =	swait.ge [sflag:s24], $0x6000  }
0xe8: {  	s8 =	rddreg [dreg:$0x8];
	[sflag:s24] =	ssyncset.done $0x0  }
0xe9: {  	[sflag:s24] =	ssyncadd.s32 $0xFFFFA000;
	s5 =	sadd.s32 s3, s8  }
0xea: {  	[hbm4b:s5+s4] =	stream.linear.scatter [tilespmem:s12], [sflag:$0x6], $0x6000, $0x38;
	[tilespmem:$0x1EB00] =	vst v63  }
0xeb: {  	_ =	swait.ge [sflag:s25], $0x6000  }
0xec: {  	s8 =	rddreg [dreg:$0x9];
	[sflag:s25] =	ssyncset.done $0x0  }
0xed: {  	[sflag:s25] =	ssyncadd.s32 $0xFFFFA000;
	s5 =	sadd.s32 s3, s8  }
0xee: {  	[hbm4b:s5+s4] =	stream.linear.scatter [tilespmem:s13], [sflag:$0x7], $0x6000, $0x38;
	[tilespmem:$0x1EB00] =	vst v63  }
0xef: {  	_ =	swait.ge [sflag:s26], $0x6000  }
0xf0: {  	s8 =	rddreg [dreg:$0x7]  }
0xf1: {  	s5 =	sadd.s32 s3, s8;
	s3 =	sadd.s32 $0x3000, s3  }
0xf2: {  	p0 =	sne.s32 s3, $0x12C000  }
.Ltmp0:
0xf3: {  	_ = 	snop;
	(pc) =	sbr.rel @p0 .LBB2_2-.Ltmp0, $4  }
0xf4: {  	_ = 	snop  }
0xf5: {  	[sflag:s26] =	ssyncset.done $0x0  }
0xf6: {  	s2 =	sadd.s32 $0x80, s2;
	[sflag:s26] =	ssyncadd.s32 $0xFFFFA000  }
0xf7: {  	[hbm4b:s5+s4] =	stream.linear.scatter [tilespmem:s14], [sflag:$0x8], $0x6000, $0x38;
	[tilespmem:$0x1EB00] =	vst v63  }
0xf8: {  	_ =	swait.ge [sflag:s28], $0x6000  }
0xf9: {  	[sflag:s28] =	ssyncset.done $0x0  }
0xfa: {  	[sflag:s28] =	ssyncadd.s32 $0xFFFFA000  }
0xfb: {  	_ =	swait.ge [sflag:s29], $0x6000  }
0xfc: {  	[sflag:s29] =	ssyncset.done $0x0  }
0xfd: {  	[sflag:s29] =	ssyncadd.s32 $0xFFFFA000  }
0xfe: {  	_ =	swait.ge [sflag:s30], $0x6000  }
0xff: {  	[sflag:s30] =	ssyncset.done $0x0  }
0x100: {  	[sflag:s30] =	ssyncadd.s32 $0xFFFFA000  }
0x101: {  	_ =	swait.ge [sflag:s31], $0x6000  }
0x102: {  	[sflag:s31] =	ssyncset.done $0x0  }
0x103: {  	[sflag:s31] =	ssyncadd.s32 $0xFFFFA000  }
0x104: {  	s2 =	simm.s32 $0x0;
	s3 =	rddreg [dreg:$0x2]  }
0x105: {  	[tilespmem:s11], [sflag:$0x9] =	stream.linear.gather [hbm4b:s3+s2], $0x18700, $0x38;
	[tilespmem:$0x1EB00] =	vst v63  }
0x106: {  	_ =	swait.ge [sflag:s10], $0x18700  }
0x107: {  	[sflag:s10] =	ssyncset.done $0x0  }
0x108: {  	s2 =	simm.s32 $0x0;
	[sflag:s10] =	ssyncadd.s32 $0xFFFE7900  }
0x109: {  	v3 =	vld [tilespmem:s2+$0x0];
	_ =	sdelay $0x7  }
0x10a: {  	s5 =	simm.s32 $0x80;
	s3 =	simm.s32 $0x10;
	v3 =	vld.idx.msk [tilespmem:v3+s11+$0x0], $0xffff  }
.LBB2_4:
0x10b: {  	p0 =	sne.s32 s5, $0xC7C0;
	v4 =	vld [tilespmem:s3+$0x0];
	_ =	sdelay $0x3  }
.Ltmp1:
0x10c: {  	(pc) =	sbr.rel @p0 .LBB2_4-.Ltmp1, $2  }
0x10d: {  	[tilespmem:s2+$0x1B900] =	vst v3;
	s2 =	smov.u32 s3;
	_ =	sdelay $0x2  }
0x10e: {  	s3 =	sshra.s32 s5, $0x2;
	s5 =	sadd.s32 $0x40, s5;
	v3 =	vld.idx.msk [tilespmem:v4+s11+$0x0], $0xffff  }
0x10f: {  	v4 =	vld [tilespmem:s3+$0x0];
	_ =	sdelay $0x7  }
0x110: {  	v4 =	vld.idx.msk [tilespmem:v4+s11+$0x0], $0xffff;
	_ =	sdelay $0x2  }
0x111: {  	s5 =	sld [smem:$0x7F7];
	s0 =	sadd.s32 $0x1, s0  }
0x112: {  	p0 =	sne.s32 s0, s9;
	[tilespmem:s2+$0x1B900] =	vst v3  }
.Ltmp2:
0x113: {  	s8 =	simm.s32 $0x1B900;
	[tilespmem:s3+$0x1B900] =	vst v4;
	(pc) =	sbr.rel @p0 .LBB2_1-.Ltmp2, $4  }
0x114: {  	[hbm4b:s5+s4] =	stream.linear.scatter [tilespmem:s8], [sflag:$0x9], $0x3200, $0x38;
	[tilespmem:$0x1EB00] =	vst v63  }
0x115: {  	_ =	swait.ge [sflag:s10], $0x3200  }
0x116: {  	[sflag:s10] =	ssyncset.done $0x0  }
0x117: {  	[sflag:s10] =	ssyncadd.s32 $0xFFFFCE00  }
0x118: {  	_ =	sfence.sel $0x180000  }
0x119: {  	[bflag:$0x0] =	sbarrier.arrive $0xFFFF  }
0x11a: {  	_ =	strace $0x90000047  }
0x11b: {  	s0 =	stileid.u32;
	[bflag:$0x2] =	sbarrier.arrive $0xFFFF  }
0x11c: {  	p0 =	sne.s32 s0, $0x0;
	s0 =	rddreg [dreg:$0x5]  }
0x11d: {  	s0 =	sadd.s32 @!p0 $0x100000, s0  }
0x11e: {  	[sflag:s0] =	ssyncadd.tile.s32 @!p0 $0x1;
	_ =	shalt  }
.Lfunc_end2:
_tile_overlayer_lowered:
.L_overlay_start_2:
0x11f: {  	(tag) =	ssettag $0x2  }
0x120: {  	s0 =	rddreg [dreg:$0x0];
	s2 =	stileid.u32  }
0x121: {  	s1 =	rddreg [dreg:$0x1];
	p0 =	sne.s32 s2, $0x0  }
0x122: {  	s3 =	rddreg [dreg:$0x2];
	[bflag:$0x3] =	sbarrier.arrive $0xFFFF;
	s2 =	simm.s32 @!p0 $0x1C09  }
0x123: {  	[timem:s3], [sflag:s2] =	dma.local @!p0 [hbm:s0], s1  }
0x124: {  	s0 =	simm.s32 @!p0 $0x9  }
0x125: {  	_ =	swait.ge @!p0 [sflag:s0], s1  }
0x126: {  	s1 =	ssub.s32 @!p0 $0x0, s1;
	[sflag:s0] =	ssyncset.done @!p0 $0x0  }
0x127: {  	[sflag:s0] =	ssyncadd.s32 @!p0 s1  }
0x128: {  	[bflag:$0x3] =	sbarrier.arrive $0xFFFF  }
0x129: {  	_ =	shalt  }

</sc_bundles>
